<compile_context>
chip_gen: v7x
topology: tpu7x:2x2x1
jax: 0.10.2.dev20260603
libtpu: 0.0.44.dev20260713+nightly
codegen_flags: <defaults>
</compile_context>

<pallas_src>
import functools

import jax
import jax.numpy as jnp
from jax import lax
from jax.experimental import pallas as pl
from jax.experimental.pallas import tpu as pltpu
from jax.experimental.pallas import tpu_sc as plsc

NC = 2
NS = 16
EB = 128
EBA = 2048
EBE = 1024
RB = 256

_MESH = plsc.VectorSubcoreMesh(
    core_axis_name="c", subcore_axis_name="s", num_cores=NC, num_subcores=NS)


def _wid(c, s):
    return s * NC + c


def _deg_kernel(npad, ep):
    epw = ep // (NC * NS)
    nblk = epw // EBA
    rpt = npad // NS

    def body(dst_hbm, zeros_hbm, e0_hbm, out_hbm, dst_a, dst_b, e0_v,
             hist_sh, semd_a, semd_b):
        c = lax.axis_index("c")
        s = lax.axis_index("s")
        row0 = pl.multiple_of(s * rpt, 8)
        pltpu.sync_copy(zeros_hbm.at[pl.ds(row0, rpt)],
                        hist_sh.at[pl.ds(row0, rpt)])
        pltpu.sync_copy(e0_hbm, e0_v)
        plsc.subcore_barrier()
        base = pl.multiple_of(_wid(c, s) * epw, EBA)

        def prefetch(i, dbuf, dsem):
            off = pl.multiple_of(base + i * EBA, EB)
            pltpu.async_copy(dst_hbm.at[pl.ds(off, EBA)], dbuf, dsem)

        def process(i, dbuf, dsem):
            pltpu.make_async_copy(
                dst_hbm.at[pl.ds(base, EBA)], dbuf, dsem).wait()
            pltpu.sync_copy(e0_v, hist_sh.at[dbuf], add=True)

        prefetch(0, dst_a, semd_a)

        def step(k, carry):
            i0 = k * 2
            i1 = i0 + 1

            @pl.when(i1 < nblk)
            def _ga():
                prefetch(i1, dst_b, semd_b)
            process(i0, dst_a, semd_a)

            @pl.when(i1 < nblk)
            def _pb():
                @pl.when(i1 + 1 < nblk)
                def _gb():
                    prefetch(i1 + 1, dst_a, semd_a)
                process(i1, dst_b, semd_b)
            return carry

        lax.fori_loop(0, (nblk + 1) // 2, step, 0)
        plsc.subcore_barrier()
        pltpu.sync_copy(hist_sh.at[pl.ds(row0, rpt)],
                        out_hbm.at[c, pl.ds(row0, rpt)])

    return pl.kernel(
        body,
        out_type=jax.ShapeDtypeStruct((NC, npad, 16), jnp.float32),
        mesh=_MESH,
        compiler_params=pltpu.CompilerParams(use_tc_tiling_on_sc=False),
        scratch_types=[
            pltpu.VMEM((EBA,), jnp.int32),
            pltpu.VMEM((EBA,), jnp.int32),
            pltpu.VMEM((EBA, 16), jnp.float32),
            pltpu.VMEM_SHARED((npad, 16), jnp.float32),
            pltpu.SemaphoreType.DMA,
            pltpu.SemaphoreType.DMA,
        ],
    )


def _row_scatter_kernel(npad, ep, f):
    epw = ep // (NC * NS)
    nblk = epw // EB
    rpt = npad // NS

    def body(hs1_hbm, src_hbm, dst_hbm, zeros_hbm, out_hbm,
             src_all, dst_a, dst_b, rows_a, rows_b, acc_sh,
             sem_a, sem_b, semd_a, semd_b):
        c = lax.axis_index("c")
        s = lax.axis_index("s")
        row0 = pl.multiple_of(s * rpt, 8)
        pltpu.sync_copy(zeros_hbm.at[pl.ds(row0, rpt)],
                        acc_sh.at[pl.ds(row0, rpt)])
        base = pl.multiple_of(_wid(c, s) * epw, EB)
        pltpu.sync_copy(src_hbm.at[pl.ds(base, epw)], src_all)
        plsc.subcore_barrier()

        def prefetch(i, buf, sem, dbuf, dsem):
            ioff = pl.multiple_of(i * EB, EB)
            off = pl.multiple_of(base + i * EB, EB)
            pltpu.async_copy(
                hs1_hbm.at[src_all.at[pl.ds(ioff, EB)]], buf, sem)
            pltpu.async_copy(dst_hbm.at[pl.ds(off, EB)], dbuf, dsem)

        def process(i, buf, sem, dbuf, dsem):
            ioff = pl.multiple_of(i * EB, EB)
            pltpu.make_async_copy(
                hs1_hbm.at[src_all.at[pl.ds(ioff, EB)]], buf, sem).wait()
            pltpu.make_async_copy(
                dst_hbm.at[pl.ds(base, EB)], dbuf, dsem).wait()
            pltpu.sync_copy(buf, acc_sh.at[dbuf], add=True)

        prefetch(0, rows_a, sem_a, dst_a, semd_a)

        def step(k, carry):
            i0 = k * 2
            i1 = i0 + 1

            @pl.when(i1 < nblk)
            def _ga():
                prefetch(i1, rows_b, sem_b, dst_b, semd_b)
            process(i0, rows_a, sem_a, dst_a, semd_a)

            @pl.when(i1 < nblk)
            def _pb():
                @pl.when(i1 + 1 < nblk)
                def _gb():
                    prefetch(i1 + 1, rows_a, sem_a, dst_a, semd_a)
                process(i1, rows_b, sem_b, dst_b, semd_b)
            return carry

        lax.fori_loop(0, (nblk + 1) // 2, step, 0)
        plsc.subcore_barrier()
        pltpu.sync_copy(acc_sh.at[pl.ds(row0, rpt)],
                        out_hbm.at[c, pl.ds(row0, rpt)])

    return pl.kernel(
        body,
        out_type=jax.ShapeDtypeStruct((NC, npad, f), jnp.float32),
        mesh=_MESH,
        scratch_types=[
            pltpu.VMEM((epw,), jnp.int32),
            pltpu.VMEM((EB,), jnp.int32),
            pltpu.VMEM((EB,), jnp.int32),
            pltpu.VMEM((EB, f), jnp.float32),
            pltpu.VMEM((EB, f), jnp.float32),
            pltpu.VMEM_SHARED((npad, f), jnp.float32),
            pltpu.SemaphoreType.DMA,
            pltpu.SemaphoreType.DMA,
            pltpu.SemaphoreType.DMA,
            pltpu.SemaphoreType.DMA,
        ],
    )


def _z_scatter_kernel(npad, ep):
    epw = ep // (NC * NS)
    nblk = epw // EBE
    rpt = npad // NS

    def body(z_hbm, src_hbm, dst_hbm, zeros_hbm, out_hbm,
             src_all, dst_a, dst_b, rows_a, rows_b, z_sh, sz_sh,
             sem_a, sem_b, semd_a, semd_b):
        c = lax.axis_index("c")
        s = lax.axis_index("s")
        row0 = pl.multiple_of(s * rpt, 8)
        pltpu.sync_copy(zeros_hbm.at[pl.ds(row0, rpt)],
                        sz_sh.at[pl.ds(row0, rpt)])
        pltpu.sync_copy(z_hbm.at[pl.ds(row0, rpt)],
                        z_sh.at[pl.ds(row0, rpt)])
        base = pl.multiple_of(_wid(c, s) * epw, EBE)
        pltpu.sync_copy(src_hbm.at[pl.ds(base, epw)], src_all)
        plsc.subcore_barrier()

        def prefetch(i, buf, sem, dbuf, dsem):
            ioff = pl.multiple_of(i * EBE, EBE)
            off = pl.multiple_of(base + i * EBE, EBE)
            pltpu.async_copy(
                z_sh.at[src_all.at[pl.ds(ioff, EBE)]], buf, sem)
            pltpu.async_copy(dst_hbm.at[pl.ds(off, EBE)], dbuf, dsem)

        def process(i, buf, sem, dbuf, dsem):
            ioff = pl.multiple_of(i * EBE, EBE)
            pltpu.make_async_copy(
                z_sh.at[src_all.at[pl.ds(ioff, EBE)]], buf, sem).wait()
            pltpu.make_async_copy(
                dst_hbm.at[pl.ds(base, EBE)], dbuf, dsem).wait()
            pltpu.sync_copy(buf, sz_sh.at[dbuf], add=True)

        prefetch(0, rows_a, sem_a, dst_a, semd_a)

        def step(k, carry):
            i0 = k * 2
            i1 = i0 + 1

            @pl.when(i1 < nblk)
            def _ga():
                prefetch(i1, rows_b, sem_b, dst_b, semd_b)
            process(i0, rows_a, sem_a, dst_a, semd_a)

            @pl.when(i1 < nblk)
            def _pb():
                @pl.when(i1 + 1 < nblk)
                def _gb():
                    prefetch(i1 + 1, rows_a, sem_a, dst_a, semd_a)
                process(i1, rows_b, sem_b, dst_b, semd_b)
            return carry

        lax.fori_loop(0, (nblk + 1) // 2, step, 0)
        plsc.subcore_barrier()
        pltpu.sync_copy(sz_sh.at[pl.ds(row0, rpt)],
                        out_hbm.at[c, pl.ds(row0, rpt)])

    return pl.kernel(
        body,
        out_type=jax.ShapeDtypeStruct((NC, npad, 16), jnp.float32),
        mesh=_MESH,
        compiler_params=pltpu.CompilerParams(use_tc_tiling_on_sc=False),
        scratch_types=[
            pltpu.VMEM((epw,), jnp.int32),
            pltpu.VMEM((EBE,), jnp.int32),
            pltpu.VMEM((EBE,), jnp.int32),
            pltpu.VMEM((EBE, 16), jnp.float32),
            pltpu.VMEM((EBE, 16), jnp.float32),
            pltpu.VMEM_SHARED((npad, 16), jnp.float32),
            pltpu.VMEM_SHARED((npad, 16), jnp.float32),
            pltpu.SemaphoreType.DMA,
            pltpu.SemaphoreType.DMA,
            pltpu.SemaphoreType.DMA,
            pltpu.SemaphoreType.DMA,
        ],
    )


def _r16(a):
    return a.astype(jnp.bfloat16).astype(jnp.float32)


def _b1_body(x_ref, w1_ref, h_ref):
    h_ref[...] = jnp.dot(_r16(x_ref[...]), _r16(w1_ref[...]),
                         preferred_element_type=jnp.float32,
                         precision=lax.Precision.HIGHEST)


def _b2_body(h_ref, degp_ref, hs1_ref, dinv_ref):
    s1 = degp_ref[0] + degp_ref[1]
    deg2 = jnp.sum(s1, axis=1, keepdims=True) + 1.0
    dinv2 = lax.rsqrt(deg2)
    hs1_ref[...] = h_ref[...] * dinv2
    dinv_ref[...] = dinv2


def _d_body(accp_ref, hs1_ref, dinv_ref, b1_ref, w2_ref, wm_ref, z_ref):
    dinv2 = dinv_ref[...]
    a = accp_ref[0] + accp_ref[1] + hs1_ref[...]
    h1 = a * dinv2 + b1_ref[...][None, :]
    h1r = jnp.maximum(h1, 0.0)
    wm2 = jnp.dot(_r16(w2_ref[...]), _r16(wm_ref[...]),
                  preferred_element_type=jnp.float32,
                  precision=lax.Precision.HIGHEST)
    zz = jnp.dot(_r16(h1r), wm2, preferred_element_type=jnp.float32,
                 precision=lax.Precision.HIGHEST) * dinv2
    lane = lax.broadcasted_iota(jnp.int32, (RB, 16), 1)
    z_ref[...] = jnp.where(lane == 0, jnp.broadcast_to(zz, (RB, 16)), 0.0)


def _f_body(g, z_ref, szp_ref, dinv_ref, batch_ref, b2_ref, wm_ref, bm_ref,
            out_ref, sums_scr, cnts_scr):
    i = pl.program_id(0)
    c22 = jnp.dot(b2_ref[...][None, :], wm_ref[...],
                  preferred_element_type=jnp.float32, precision=lax.Precision.HIGHEST)
    szs = szp_ref[0] + szp_ref[1]
    sz2 = jnp.sum(szs, axis=1, keepdims=True)
    zb2 = jnp.sum(z_ref[...], axis=1, keepdims=True)
    v2 = dinv_ref[...] * (sz2 + zb2) + c22
    onehot = (batch_ref[...] ==
              lax.broadcasted_iota(jnp.int32, (RB, g), 1)).astype(jnp.float32)
    ps = jnp.sum(onehot * v2, axis=0, keepdims=True)
    pc = jnp.sum(onehot, axis=0, keepdims=True)

    @pl.when(i == 0)
    def _init():
        sums_scr[...] = ps
        cnts_scr[...] = pc

    @pl.when(i > 0)
    def _accum():
        sums_scr[...] = sums_scr[...] + ps
        cnts_scr[...] = cnts_scr[...] + pc

    @pl.when(i == pl.num_programs(0) - 1)
    def _fin():
        pooled = sums_scr[...] / jnp.maximum(cnts_scr[...], 1.0)
        out_ref[...] = pooled + bm_ref[...][None, :]


def kernel(x, edge_index, batch, W1, b1, W2, b2, Wm, bm):
    n, f = x.shape
    h = W1.shape[1]
    e = edge_index.shape[1]
    g = 64

    npad = ((n + 2047) // 2048) * 2048
    ep = ((e + 32 * EBA - 1) // (32 * EBA)) * 32 * EBA
    nb = npad // RB

    src = edge_index[0]
    dst = edge_index[1]
    pad_idx = (n + jnp.arange(ep - e, dtype=jnp.int32) % (npad - n)).astype(
        jnp.int32)
    src_p = jnp.concatenate([src.astype(jnp.int32), pad_idx])
    dst_p = jnp.concatenate([dst.astype(jnp.int32), pad_idx])
    x_p = jnp.pad(x, ((0, npad - n), (0, 0)))
    batch_p = jnp.pad(batch.astype(jnp.int32), (0, npad - n),
                      constant_values=g)[:, None]
    zeros16 = jnp.zeros((npad, 16), jnp.float32)
    zeros_f = jnp.zeros((npad, f), jnp.float32)
    e0rows = jnp.zeros((EBA, 16), jnp.float32).at[:, 0].set(1.0)

    degp = _deg_kernel(npad, ep)(dst_p, zeros16, e0rows)

    h1raw = pl.pallas_call(
        _b1_body,
        grid=(nb,),
        in_specs=[
            pl.BlockSpec((RB, f), lambda i: (i, 0)),
            pl.BlockSpec((f, h), lambda i: (0, 0)),
        ],
        out_specs=pl.BlockSpec((RB, h), lambda i: (i, 0)),
        out_shape=jax.ShapeDtypeStruct((npad, h), jnp.float32),
    )(x_p, W1)

    hs1, dinv2d = pl.pallas_call(
        _b2_body,
        grid=(nb,),
        in_specs=[
            pl.BlockSpec((RB, h), lambda i: (i, 0)),
            pl.BlockSpec((NC, RB, 16), lambda i: (0, i, 0)),
        ],
        out_specs=[
            pl.BlockSpec((RB, h), lambda i: (i, 0)),
            pl.BlockSpec((RB, 1), lambda i: (i, 0)),
        ],
        out_shape=[
            jax.ShapeDtypeStruct((npad, h), jnp.float32),
            jax.ShapeDtypeStruct((npad, 1), jnp.float32),
        ],
    )(h1raw, degp)

    accp = _row_scatter_kernel(npad, ep, h)(hs1, src_p, dst_p, zeros_f)

    z16 = pl.pallas_call(
        _d_body,
        grid=(nb,),
        in_specs=[
            pl.BlockSpec((NC, RB, h), lambda i: (0, i, 0)),
            pl.BlockSpec((RB, h), lambda i: (i, 0)),
            pl.BlockSpec((RB, 1), lambda i: (i, 0)),
            pl.BlockSpec((h,), lambda i: (0,)),
            pl.BlockSpec((h, h), lambda i: (0, 0)),
            pl.BlockSpec((h, 1), lambda i: (0, 0)),
        ],
        out_specs=pl.BlockSpec((RB, 16), lambda i: (i, 0)),
        out_shape=jax.ShapeDtypeStruct((npad, 16), jnp.float32),
    )(accp, hs1, dinv2d, b1, W2, Wm)

    szp = _z_scatter_kernel(npad, ep)(z16, src_p, dst_p, zeros16)

    out = pl.pallas_call(
        functools.partial(_f_body, g),
        grid=(nb,),
        in_specs=[
            pl.BlockSpec((RB, 16), lambda i: (i, 0)),
            pl.BlockSpec((NC, RB, 16), lambda i: (0, i, 0)),
            pl.BlockSpec((RB, 1), lambda i: (i, 0)),
            pl.BlockSpec((RB, 1), lambda i: (i, 0)),
            pl.BlockSpec((h,), lambda i: (0,)),
            pl.BlockSpec((h, 1), lambda i: (0, 0)),
            pl.BlockSpec((1,), lambda i: (0,)),
        ],
        out_specs=pl.BlockSpec((1, g), lambda i: (0, 0)),
        out_shape=jax.ShapeDtypeStruct((1, g), jnp.float32),
        scratch_shapes=[
            pltpu.VMEM((1, g), jnp.float32),
            pltpu.VMEM((1, g), jnp.float32),
        ],
        compiler_params=pltpu.CompilerParams(
            dimension_semantics=("arbitrary",)),
    )(z16, szp, dinv2d, batch_p, b2, Wm, bm)

    return out.reshape(g, 1)

# --- scband reference (transcript-rebuilt; emitter-appended) ---
"""Pipeline reference for scband-simple-gcn-8899172237583 (READ-ONLY COPY).

The authoritative reference and input builder live on the scoring server;
editing this copy changes nothing except your own understanding.
"""

import jax, jax.numpy as jnp
import numpy as np

N = 10000
E = 320000
F_IN = 128
H = 128
G = 64


def setup_inputs(seed: int = 0) -> dict:
    key = jax.random.key(seed)
    ks = jax.random.split(key, 6)
    x = jax.random.normal(ks[0], (N, F_IN), dtype=jnp.float32)
    edge_index = jax.random.randint(ks[1], (2, E), 0, N)
    batch = jnp.sort(jax.random.randint(ks[2], (N,), 0, G))
    W1 = jax.random.normal(ks[3], (F_IN, H), dtype=jnp.float32) / np.sqrt(F_IN)
    b1 = jnp.zeros((H,), dtype=jnp.float32)
    W2 = jax.random.normal(ks[4], (H, H), dtype=jnp.float32) / np.sqrt(H)
    b2 = jnp.zeros((H,), dtype=jnp.float32)
    Wm = jax.random.normal(ks[5], (H, 1), dtype=jnp.float32) / np.sqrt(H)
    bm = jnp.zeros((1,), dtype=jnp.float32)
    return {"x": x, "edge_index": edge_index, "batch": batch,
            "W1": W1, "b1": b1, "W2": W2, "b2": b2, "Wm": Wm, "bm": bm}


def _gcn_conv(x, src, dst, W, b, num_nodes):
    # GCNConv with add_self_loops=True and symmetric normalization
    loop = jnp.arange(num_nodes, dtype=src.dtype)
    s = jnp.concatenate([src, loop])
    d = jnp.concatenate([dst, loop])
    deg = jnp.zeros((num_nodes,), dtype=x.dtype).at[d].add(1.0)
    dinv = jnp.where(deg > 0, jax.lax.rsqrt(deg), 0.0)
    norm = dinv[s] * dinv[d]
    h = x @ W
    msg = h[s] * norm[:, None]
    out = jnp.zeros((num_nodes, W.shape[1]), dtype=x.dtype).at[d].add(msg)
    return out + b


def reference(x, edge_index, batch, W1, b1, W2, b2, Wm, bm):
    src = edge_index[0]
    dst = edge_index[1]
    n = x.shape[0]
    h = _gcn_conv(x, src, dst, W1, b1, n)
    h = jax.nn.relu(h)
    # dropout is identity in eval mode
    h = _gcn_conv(h, src, dst, W2, b2, n)
    sums = jax.ops.segment_sum(h, batch, num_segments=G)
    counts = jax.ops.segment_sum(jnp.ones((n,), dtype=h.dtype), batch, num_segments=G)
    pooled = sums / jnp.maximum(counts, 1.0)[:, None]
    return pooled @ Wm + bm

if __name__ == "__main__":
    import jax
    _d = setup_inputs()
    print(jax.jit(kernel)(*tuple(_d.values())))

</pallas_src>

<mosaic_0001>
#map = affine_map<(d0, d1) -> (0, 0)>
#map1 = affine_map<(d0, d1) -> (0)>
#map2 = affine_map<(d0, d1) -> (0, 0, 0)>
module attributes {stable_mosaic.version = 14 : i64} {
  func.func @body(%arg0: i32, %arg1: i32, %arg2: memref<10240x128xf32, #tpu.memory_space<hbm>>, %arg3: memref<327680xi32, #tpu.memory_space<hbm>>, %arg4: memref<327680xi32, #tpu.memory_space<hbm>>, %arg5: memref<10240x128xf32, #tpu.memory_space<hbm>>, %arg6: memref<2x10240x128xf32, #tpu.memory_space<hbm>>, %arg7: memref<10240xi32, #tpu.memory_space<vmem>>, %arg8: memref<128xi32, #tpu.memory_space<vmem>>, %arg9: memref<128xi32, #tpu.memory_space<vmem>>, %arg10: memref<128x128xf32, #tpu.memory_space<vmem>>, %arg11: memref<128x128xf32, #tpu.memory_space<vmem>>, %arg12: memref<10240x128xf32, #tpu.memory_space<vmem_shared>>, %arg13: memref<!tpu.dma_semaphore, #tpu.memory_space<semaphore_mem>>, %arg14: memref<!tpu.dma_semaphore, #tpu.memory_space<semaphore_mem>>, %arg15: memref<!tpu.dma_semaphore, #tpu.memory_space<semaphore_mem>>, %arg16: memref<!tpu.dma_semaphore, #tpu.memory_space<semaphore_mem>>) attributes {dimension_semantics = [#tpu.dimension_semantics<core_parallel>, #tpu.dimension_semantics<subcore_parallel>], iteration_bounds = array<i64: 2, 16>, scalar_prefetch = 0 : i64, scratch_operands = 10 : i64, tpu.core_type = #tpu.core_type<sc_vector_subcore>, window_params = [{transform_indices = #map}, {transform_indices = #map1}, {transform_indices = #map1}, {transform_indices = #map}, {transform_indices = #map2}]} {
    %mul3A = arith.constant 640 : i32
    %mul3A_0 = arith.muli %arg1, %mul3A : i32
    %multiple_of3A = tpu.assume_multiple %mul3A_0, 8 : i32
    "tpu.region"() ({
      %run_scoped3A = tpu.sem_alloc : memref<!tpu.dma_semaphore, #tpu.memory_space<semaphore_mem>>
      %dma_start3A_22 = arith.constant 0 : i32
      %dma_start3A_23 = tpu.memref_slice %arg12[%multiple_of3A, %dma_start3A_22] : memref<10240x128xf32, #tpu.memory_space<vmem_shared>> -> memref<640x128xf32, #tpu.memory_space<vmem_shared>>
      %dma_start3A_24 = arith.constant 0 : i32
      %dma_start3A_25 = tpu.memref_slice %arg5[%multiple_of3A, %dma_start3A_24] : memref<10240x128xf32, #tpu.memory_space<hbm>> -> memref<640x128xf32, #tpu.memory_space<hbm>>
      tpu.enqueue_dma source(%dma_start3A_25 : memref<640x128xf32, #tpu.memory_space<hbm>>) target(%dma_start3A_23 : memref<640x128xf32, #tpu.memory_space<vmem_shared>>) target_semaphore(%run_scoped3A : memref<!tpu.dma_semaphore, #tpu.memory_space<semaphore_mem>>)
      %dma_wait3A = arith.constant 0 : i32
      %dma_wait3A_26 = tpu.memref_slice %arg12[%multiple_of3A, %dma_wait3A] : memref<10240x128xf32, #tpu.memory_space<vmem_shared>> -> memref<640x128xf32, #tpu.memory_space<vmem_shared>>
      %dma_wait3A_27 = arith.constant 0 : i32
      %dma_wait3A_28 = tpu.memref_slice %arg5[%multiple_of3A, %dma_wait3A_27] : memref<10240x128xf32, #tpu.memory_space<hbm>> -> memref<640x128xf32, #tpu.memory_space<hbm>>
      tpu.wait_dma2 semaphore(%run_scoped3A : memref<!tpu.dma_semaphore, #tpu.memory_space<semaphore_mem>>) src(%dma_wait3A_28 : memref<640x128xf32, #tpu.memory_space<hbm>>) dst(%dma_wait3A_26 : memref<640x128xf32, #tpu.memory_space<vmem_shared>>)
      tpu.yield
    }) : () -> ()
    %mul3A_1 = arith.constant 2 : i32
    %mul3A_2 = arith.muli %arg1, %mul3A_1 : i32
    %add3A = arith.addi %mul3A_2, %arg0 : i32
    %mul3A_3 = arith.constant 10240 : i32
    %mul3A_4 = arith.muli %add3A, %mul3A_3 : i32
    %multiple_of3A_5 = tpu.assume_multiple %mul3A_4, 128 : i32
    "tpu.region"() ({
      %run_scoped3A = tpu.sem_alloc : memref<!tpu.dma_semaphore, #tpu.memory_space<semaphore_mem>>
      %dma_start3A_22 = tpu.memref_slice %arg3[%multiple_of3A_5] : memref<327680xi32, #tpu.memory_space<hbm>> -> memref<10240xi32, #tpu.memory_space<hbm>>
      %dma_start3A_23 = tpu.memref_slice %arg3[%multiple_of3A_5] : memref<327680xi32, #tpu.memory_space<hbm>> -> memref<10240xi32, #tpu.memory_space<hbm>>
      tpu.enqueue_dma source(%dma_start3A_23 : memref<10240xi32, #tpu.memory_space<hbm>>) target(%arg7 : memref<10240xi32, #tpu.memory_space<vmem>>) target_semaphore(%run_scoped3A : memref<!tpu.dma_semaphore, #tpu.memory_space<semaphore_mem>>)
      %dma_wait3A = tpu.memref_slice %arg3[%multiple_of3A_5] : memref<327680xi32, #tpu.memory_space<hbm>> -> memref<10240xi32, #tpu.memory_space<hbm>>
      %dma_wait3A_24 = tpu.memref_slice %arg3[%multiple_of3A_5] : memref<327680xi32, #tpu.memory_space<hbm>> -> memref<10240xi32, #tpu.memory_space<hbm>>
      tpu.wait_dma2 semaphore(%run_scoped3A : memref<!tpu.dma_semaphore, #tpu.memory_space<semaphore_mem>>) src(%dma_wait3A_24 : memref<10240xi32, #tpu.memory_space<hbm>>) dst(%arg7 : memref<10240xi32, #tpu.memory_space<vmem>>)
      tpu.yield
    }) : () -> ()
    %barrier3A = arith.constant 0 : index
    tpu.barrier barrier_id(%barrier3A)
    %multiple_of3A_6 = arith.constant 0 : i32
    %multiple_of3A_7 = tpu.assume_multiple %multiple_of3A_6, 128 : i32
    %add3A_8 = arith.constant 0 : i32
    %add3A_9 = arith.addi %multiple_of3A_5, %add3A_8 : i32
    %multiple_of3A_10 = tpu.assume_multiple %add3A_9, 128 : i32
    %dma_start3A = tpu.memref_slice %arg7[%multiple_of3A_7] : memref<10240xi32, #tpu.memory_space<vmem>> -> memref<128xi32, #tpu.memory_space<vmem>>
    %dma_start3A_11 = arith.constant 0 : i32
    %dma_start3A_12 = arith.constant 0 : i32
    %dma_start3A_13 = tpu.memref_slice %arg2[%dma_start3A_11, %dma_start3A_12] : memref<10240x128xf32, #tpu.memory_space<hbm>> -> memref<10240x128xf32, #tpu.memory_space<hbm>>
    tpu.enqueue_indirect_dma source(%dma_start3A_13 : memref<10240x128xf32, #tpu.memory_space<hbm>>) target(%arg10 : memref<128x128xf32, #tpu.memory_space<vmem>>) offsets(%dma_start3A : memref<128xi32, #tpu.memory_space<vmem>>) semaphore(%arg13 : memref<!tpu.dma_semaphore, #tpu.memory_space<semaphore_mem>>)
    %dma_start3A_14 = tpu.memref_slice %arg4[%multiple_of3A_10] : memref<327680xi32, #tpu.memory_space<hbm>> -> memref<128xi32, #tpu.memory_space<hbm>>
    %dma_start3A_15 = tpu.memref_slice %arg4[%multiple_of3A_10] : memref<327680xi32, #tpu.memory_space<hbm>> -> memref<128xi32, #tpu.memory_space<hbm>>
    tpu.enqueue_dma source(%dma_start3A_15 : memref<128xi32, #tpu.memory_space<hbm>>) target(%arg8 : memref<128xi32, #tpu.memory_space<vmem>>) target_semaphore(%arg15 : memref<!tpu.dma_semaphore, #tpu.memory_space<semaphore_mem>>)
    %scan3A = arith.constant 0 : i32
    %scan3A_16 = arith.constant 0 : i32
    %scan3A_17 = arith.constant 40 : i32
    %scan3A_18 = arith.addi %scan3A_16, %scan3A_17 : i32
    %scan3A_19 = arith.constant 1 : i32
    scf.for %scan3A_22 = %scan3A_16 to %scan3A_18 step %scan3A_19  : i32 {
      %mul3A_23 = arith.constant 2 : i32
      %mul3A_24 = arith.muli %scan3A_22, %mul3A_23 : i32
      %add3A_25 = arith.constant 1 : i32
      %add3A_26 = arith.addi %mul3A_24, %add3A_25 : i32
      %lt3A = arith.constant 80 : i32
      %lt3A_27 = arith.cmpi slt, %add3A_26, %lt3A : i32
      %convert_element_type3A = arith.extui %lt3A_27 : i1 to i32
      %cond3A = arith.constant 0 : i32
      %cond3A_28 = arith.cmpi ne, %convert_element_type3A, %cond3A : i32
      scf.if %cond3A_28 {
        %mul3A_42 = arith.constant 128 : i32
        %mul3A_43 = arith.muli %add3A_26, %mul3A_42 : i32
        %multiple_of3A_44 = tpu.assume_multiple %mul3A_43, 128 : i32
        %mul3A_45 = arith.constant 128 : i32
        %mul3A_46 = arith.muli %add3A_26, %mul3A_45 : i32
        %add3A_47 = arith.addi %multiple_of3A_5, %mul3A_46 : i32
        %multiple_of3A_48 = tpu.assume_multiple %add3A_47, 128 : i32
        %dma_start3A_49 = tpu.memref_slice %arg7[%multiple_of3A_44] : memref<10240xi32, #tpu.memory_space<vmem>> -> memref<128xi32, #tpu.memory_space<vmem>>
        %dma_start3A_50 = arith.constant 0 : i32
        %dma_start3A_51 = arith.constant 0 : i32
        %dma_start3A_52 = tpu.memref_slice %arg2[%dma_start3A_50, %dma_start3A_51] : memref<10240x128xf32, #tpu.memory_space<hbm>> -> memref<10240x128xf32, #tpu.memory_space<hbm>>
        tpu.enqueue_indirect_dma source(%dma_start3A_52 : memref<10240x128xf32, #tpu.memory_space<hbm>>) target(%arg11 : memref<128x128xf32, #tpu.memory_space<vmem>>) offsets(%dma_start3A_49 : memref<128xi32, #tpu.memory_space<vmem>>) semaphore(%arg14 : memref<!tpu.dma_semaphore, #tpu.memory_space<semaphore_mem>>)
        %dma_start3A_53 = tpu.memref_slice %arg4[%multiple_of3A_48] : memref<327680xi32, #tpu.memory_space<hbm>> -> memref<128xi32, #tpu.memory_space<hbm>>
        %dma_start3A_54 = tpu.memref_slice %arg4[%multiple_of3A_48] : memref<327680xi32, #tpu.memory_space<hbm>> -> memref<128xi32, #tpu.memory_space<hbm>>
        tpu.enqueue_dma source(%dma_start3A_54 : memref<128xi32, #tpu.memory_space<hbm>>) target(%arg9 : memref<128xi32, #tpu.memory_space<vmem>>) target_semaphore(%arg16 : memref<!tpu.dma_semaphore, #tpu.memory_space<semaphore_mem>>)
      } else {
      }
      %mul3A_29 = arith.constant 128 : i32
      %mul3A_30 = arith.muli %mul3A_24, %mul3A_29 : i32
      %multiple_of3A_31 = tpu.assume_multiple %mul3A_30, 128 : i32
      %dma_wait3A = tpu.memref_slice %arg7[%multiple_of3A_31] : memref<10240xi32, #tpu.memory_space<vmem>> -> memref<128xi32, #tpu.memory_space<vmem>>
      %dma_wait3A_32 = arith.constant 0 : i32
      %dma_wait3A_33 = arith.constant 0 : i32
      %dma_wait3A_34 = tpu.memref_slice %arg2[%dma_wait3A_32, %dma_wait3A_33] : memref<10240x128xf32, #tpu.memory_space<hbm>> -> memref<10240x128xf32, #tpu.memory_space<hbm>>
      tpu.wait_indirect_dma semaphore(%arg13 : memref<!tpu.dma_semaphore, #tpu.memory_space<semaphore_mem>>) src(%dma_wait3A_34 : memref<10240x128xf32, #tpu.memory_space<hbm>>) dst(%arg10 : memref<128x128xf32, #tpu.memory_space<vmem>>)
      %dma_wait3A_35 = tpu.memref_slice %arg4[%multiple_of3A_5] : memref<327680xi32, #tpu.memory_space<hbm>> -> memref<128xi32, #tpu.memory_space<hbm>>
      %dma_wait3A_36 = tpu.memref_slice %arg4[%multiple_of3A_5] : memref<327680xi32, #tpu.memory_space<hbm>> -> memref<128xi32, #tpu.memory_space<hbm>>
      tpu.wait_dma2 semaphore(%arg15 : memref<!tpu.dma_semaphore, #tpu.memory_space<semaphore_mem>>) src(%dma_wait3A_36 : memref<128xi32, #tpu.memory_space<hbm>>) dst(%arg8 : memref<128xi32, #tpu.memory_space<vmem>>)
      "tpu.region"() ({
        %run_scoped3A = tpu.sem_alloc : memref<!tpu.dma_semaphore, #tpu.memory_space<semaphore_mem>>
        %dma_start3A_42 = arith.constant 0 : i32
        %dma_start3A_43 = arith.constant 0 : i32
        %dma_start3A_44 = tpu.memref_slice %arg12[%dma_start3A_42, %dma_start3A_43] : memref<10240x128xf32, #tpu.memory_space<vmem_shared>> -> memref<10240x128xf32, #tpu.memory_space<vmem_shared>>
        tpu.enqueue_indirect_dma source(%arg10 : memref<128x128xf32, #tpu.memory_space<vmem>>) target(%dma_start3A_44 : memref<10240x128xf32, #tpu.memory_space<vmem_shared>>) offsets(%arg8 : memref<128xi32, #tpu.memory_space<vmem>>) semaphore(%run_scoped3A : memref<!tpu.dma_semaphore, #tpu.memory_space<semaphore_mem>>) {add = true}
        %dma_wait3A_45 = arith.constant 0 : i32
        %dma_wait3A_46 = arith.constant 0 : i32
        %dma_wait3A_47 = tpu.memref_slice %arg12[%dma_wait3A_45, %dma_wait3A_46] : memref<10240x128xf32, #tpu.memory_space<vmem_shared>> -> memref<10240x128xf32, #tpu.memory_space<vmem_shared>>
        tpu.wait_indirect_dma semaphore(%run_scoped3A : memref<!tpu.dma_semaphore, #tpu.memory_space<semaphore_mem>>) src(%arg10 : memref<128x128xf32, #tpu.memory_space<vmem>>) dst(%dma_wait3A_47 : memref<10240x128xf32, #tpu.memory_space<vmem_shared>>)
        tpu.yield
      }) : () -> ()
      %lt3A_37 = arith.constant 80 : i32
      %lt3A_38 = arith.cmpi slt, %add3A_26, %lt3A_37 : i32
      %convert_element_type3A_39 = arith.extui %lt3A_38 : i1 to i32
      %cond3A_40 = arith.constant 0 : i32
      %cond3A_41 = arith.cmpi ne, %convert_element_type3A_39, %cond3A_40 : i32
      scf.if %cond3A_41 {
        %add3A_42 = arith.constant 1 : i32
        %add3A_43 = arith.addi %add3A_26, %add3A_42 : i32
        %lt3A_44 = arith.constant 80 : i32
        %lt3A_45 = arith.cmpi slt, %add3A_43, %lt3A_44 : i32
        %convert_element_type3A_46 = arith.extui %lt3A_45 : i1 to i32
        %cond3A_47 = arith.constant 0 : i32
        %cond3A_48 = arith.cmpi ne, %convert_element_type3A_46, %cond3A_47 : i32
        scf.if %cond3A_48 {
          %add3A_58 = arith.constant 1 : i32
          %add3A_59 = arith.addi %add3A_26, %add3A_58 : i32
          %mul3A_60 = arith.constant 128 : i32
          %mul3A_61 = arith.muli %add3A_59, %mul3A_60 : i32
          %multiple_of3A_62 = tpu.assume_multiple %mul3A_61, 128 : i32
          %mul3A_63 = arith.constant 128 : i32
          %mul3A_64 = arith.muli %add3A_59, %mul3A_63 : i32
          %add3A_65 = arith.addi %multiple_of3A_5, %mul3A_64 : i32
          %multiple_of3A_66 = tpu.assume_multiple %add3A_65, 128 : i32
          %dma_start3A_67 = tpu.memref_slice %arg7[%multiple_of3A_62] : memref<10240xi32, #tpu.memory_space<vmem>> -> memref<128xi32, #tpu.memory_space<vmem>>
          %dma_start3A_68 = arith.constant 0 : i32
          %dma_start3A_69 = arith.constant 0 : i32
          %dma_start3A_70 = tpu.memref_slice %arg2[%dma_start3A_68, %dma_start3A_69] : memref<10240x128xf32, #tpu.memory_space<hbm>> -> memref<10240x128xf32, #tpu.memory_space<hbm>>
          tpu.enqueue_indirect_dma source(%dma_start3A_70 : memref<10240x128xf32, #tpu.memory_space<hbm>>) target(%arg10 : memref<128x128xf32, #tpu.memory_space<vmem>>) offsets(%dma_start3A_67 : memref<128xi32, #tpu.memory_space<vmem>>) semaphore(%arg13 : memref<!tpu.dma_semaphore, #tpu.memory_space<semaphore_mem>>)
          %dma_start3A_71 = tpu.memref_slice %arg4[%multiple_of3A_66] : memref<327680xi32, #tpu.memory_space<hbm>> -> memref<128xi32, #tpu.memory_space<hbm>>
          %dma_start3A_72 = tpu.memref_slice %arg4[%multiple_of3A_66] : memref<327680xi32, #tpu.memory_space<hbm>> -> memref<128xi32, #tpu.memory_space<hbm>>
          tpu.enqueue_dma source(%dma_start3A_72 : memref<128xi32, #tpu.memory_space<hbm>>) target(%arg8 : memref<128xi32, #tpu.memory_space<vmem>>) target_semaphore(%arg15 : memref<!tpu.dma_semaphore, #tpu.memory_space<semaphore_mem>>)
        } else {
        }
        %mul3A_49 = arith.constant 128 : i32
        %mul3A_50 = arith.muli %add3A_26, %mul3A_49 : i32
        %multiple_of3A_51 = tpu.assume_multiple %mul3A_50, 128 : i32
        %dma_wait3A_52 = tpu.memref_slice %arg7[%multiple_of3A_51] : memref<10240xi32, #tpu.memory_space<vmem>> -> memref<128xi32, #tpu.memory_space<vmem>>
        %dma_wait3A_53 = arith.constant 0 : i32
        %dma_wait3A_54 = arith.constant 0 : i32
        %dma_wait3A_55 = tpu.memref_slice %arg2[%dma_wait3A_53, %dma_wait3A_54] : memref<10240x128xf32, #tpu.memory_space<hbm>> -> memref<10240x128xf32, #tpu.memory_space<hbm>>
        tpu.wait_indirect_dma semaphore(%arg14 : memref<!tpu.dma_semaphore, #tpu.memory_space<semaphore_mem>>) src(%dma_wait3A_55 : memref<10240x128xf32, #tpu.memory_space<hbm>>) dst(%arg11 : memref<128x128xf32, #tpu.memory_space<vmem>>)
        %dma_wait3A_56 = tpu.memref_slice %arg4[%multiple_of3A_5] : memref<327680xi32, #tpu.memory_space<hbm>> -> memref<128xi32, #tpu.memory_space<hbm>>
        %dma_wait3A_57 = tpu.memref_slice %arg4[%multiple_of3A_5] : memref<327680xi32, #tpu.memory_space<hbm>> -> memref<128xi32, #tpu.memory_space<hbm>>
        tpu.wait_dma2 semaphore(%arg16 : memref<!tpu.dma_semaphore, #tpu.memory_space<semaphore_mem>>) src(%dma_wait3A_57 : memref<128xi32, #tpu.memory_space<hbm>>) dst(%arg9 : memref<128xi32, #tpu.memory_space<vmem>>)
        "tpu.region"() ({
          %run_scoped3A = tpu.sem_alloc : memref<!tpu.dma_semaphore, #tpu.memory_space<semaphore_mem>>
          %dma_start3A_58 = arith.constant 0 : i32
          %dma_start3A_59 = arith.constant 0 : i32
          %dma_start3A_60 = tpu.memref_slice %arg12[%dma_start3A_58, %dma_start3A_59] : memref<10240x128xf32, #tpu.memory_space<vmem_shared>> -> memref<10240x128xf32, #tpu.memory_space<vmem_shared>>
          tpu.enqueue_indirect_dma source(%arg11 : memref<128x128xf32, #tpu.memory_space<vmem>>) target(%dma_start3A_60 : memref<10240x128xf32, #tpu.memory_space<vmem_shared>>) offsets(%arg9 : memref<128xi32, #tpu.memory_space<vmem>>) semaphore(%run_scoped3A : memref<!tpu.dma_semaphore, #tpu.memory_space<semaphore_mem>>) {add = true}
          %dma_wait3A_61 = arith.constant 0 : i32
          %dma_wait3A_62 = arith.constant 0 : i32
          %dma_wait3A_63 = tpu.memref_slice %arg12[%dma_wait3A_61, %dma_wait3A_62] : memref<10240x128xf32, #tpu.memory_space<vmem_shared>> -> memref<10240x128xf32, #tpu.memory_space<vmem_shared>>
          tpu.wait_indirect_dma semaphore(%run_scoped3A : memref<!tpu.dma_semaphore, #tpu.memory_space<semaphore_mem>>) src(%arg11 : memref<128x128xf32, #tpu.memory_space<vmem>>) dst(%dma_wait3A_63 : memref<10240x128xf32, #tpu.memory_space<vmem_shared>>)
          tpu.yield
        }) : () -> ()
      } else {
      }
    }
    %scan3A_20 = arith.constant 40 : i32
    %barrier3A_21 = arith.constant 0 : index
    tpu.barrier barrier_id(%barrier3A_21)
    "tpu.region"() ({
      %run_scoped3A = tpu.sem_alloc : memref<!tpu.dma_semaphore, #tpu.memory_space<semaphore_mem>>
      %dma_start3A_22 = arith.constant 0 : i32
      %dma_start3A_23 = tpu.memref_slice %arg6[%arg0, %multiple_of3A, %dma_start3A_22] : memref<2x10240x128xf32, #tpu.memory_space<hbm>> -> memref<1x640x128xf32, #tpu.memory_space<hbm>>
      %dma_start3A_24 = tpu.memref_squeeze %dma_start3A_23 : memref<1x640x128xf32, #tpu.memory_space<hbm>> -> memref<640x128xf32, #tpu.memory_space<hbm>>
      %dma_start3A_25 = arith.constant 0 : i32
      %dma_start3A_26 = tpu.memref_slice %arg12[%multiple_of3A, %dma_start3A_25] : memref<10240x128xf32, #tpu.memory_space<vmem_shared>> -> memref<640x128xf32, #tpu.memory_space<vmem_shared>>
      tpu.enqueue_dma source(%dma_start3A_26 : memref<640x128xf32, #tpu.memory_space<vmem_shared>>) target(%dma_start3A_24 : memref<640x128xf32, #tpu.memory_space<hbm>>) target_semaphore(%run_scoped3A : memref<!tpu.dma_semaphore, #tpu.memory_space<semaphore_mem>>)
      %dma_wait3A = arith.constant 0 : i32
      %dma_wait3A_27 = tpu.memref_slice %arg6[%arg0, %multiple_of3A, %dma_wait3A] : memref<2x10240x128xf32, #tpu.memory_space<hbm>> -> memref<1x640x128xf32, #tpu.memory_space<hbm>>
      %dma_wait3A_28 = tpu.memref_squeeze %dma_wait3A_27 : memref<1x640x128xf32, #tpu.memory_space<hbm>> -> memref<640x128xf32, #tpu.memory_space<hbm>>
      %dma_wait3A_29 = arith.constant 0 : i32
      %dma_wait3A_30 = tpu.memref_slice %arg12[%multiple_of3A, %dma_wait3A_29] : memref<10240x128xf32, #tpu.memory_space<vmem_shared>> -> memref<640x128xf32, #tpu.memory_space<vmem_shared>>
      tpu.wait_dma2 semaphore(%run_scoped3A : memref<!tpu.dma_semaphore, #tpu.memory_space<semaphore_mem>>) src(%dma_wait3A_30 : memref<640x128xf32, #tpu.memory_space<vmem_shared>>) dst(%dma_wait3A_28 : memref<640x128xf32, #tpu.memory_space<hbm>>)
      tpu.yield
    }) : () -> ()
    return
  }
}

#map = affine_map<(d0, d1) -> (0)>
#map1 = affine_map<(d0, d1) -> (0, 0)>
#map2 = affine_map<(d0, d1) -> (0, 0, 0)>
module attributes {stable_mosaic.version = 14 : i64} {
  func.func @body(%arg0: i32, %arg1: i32, %arg2: memref<327680xi32, #tpu.memory_space<hbm>>, %arg3: memref<10240x16xf32, #tpu.memory_space<hbm>>, %arg4: memref<2048x16xf32, #tpu.memory_space<hbm>>, %arg5: memref<2x10240x16xf32, #tpu.memory_space<hbm>>, %arg6: memref<2048xi32, #tpu.memory_space<vmem>>, %arg7: memref<2048xi32, #tpu.memory_space<vmem>>, %arg8: memref<2048x16xf32, #tpu.memory_space<vmem>>, %arg9: memref<10240x16xf32, #tpu.memory_space<vmem_shared>>, %arg10: memref<!tpu.dma_semaphore, #tpu.memory_space<semaphore_mem>>, %arg11: memref<!tpu.dma_semaphore, #tpu.memory_space<semaphore_mem>>) attributes {dimension_semantics = [#tpu.dimension_semantics<core_parallel>, #tpu.dimension_semantics<subcore_parallel>], iteration_bounds = array<i64: 2, 16>, scalar_prefetch = 0 : i64, scratch_operands = 6 : i64, tpu.core_type = #tpu.core_type<sc_vector_subcore>, window_params = [{transform_indices = #map}, {transform_indices = #map1}, {transform_indices = #map1}, {transform_indices = #map2}]} {
    %mul3A = arith.constant 640 : i32
    %mul3A_0 = arith.muli %arg1, %mul3A : i32
    %multiple_of3A = tpu.assume_multiple %mul3A_0, 8 : i32
    "tpu.region"() ({
      %run_scoped3A = tpu.sem_alloc : memref<!tpu.dma_semaphore, #tpu.memory_space<semaphore_mem>>
      %dma_start3A_16 = arith.constant 0 : i32
      %dma_start3A_17 = tpu.memref_slice %arg9[%multiple_of3A, %dma_start3A_16] : memref<10240x16xf32, #tpu.memory_space<vmem_shared>> -> memref<640x16xf32, #tpu.memory_space<vmem_shared>>
      %dma_start3A_18 = arith.constant 0 : i32
      %dma_start3A_19 = tpu.memref_slice %arg3[%multiple_of3A, %dma_start3A_18] : memref<10240x16xf32, #tpu.memory_space<hbm>> -> memref<640x16xf32, #tpu.memory_space<hbm>>
      tpu.enqueue_dma source(%dma_start3A_19 : memref<640x16xf32, #tpu.memory_space<hbm>>) target(%dma_start3A_17 : memref<640x16xf32, #tpu.memory_space<vmem_shared>>) target_semaphore(%run_scoped3A : memref<!tpu.dma_semaphore, #tpu.memory_space<semaphore_mem>>)
      %dma_wait3A = arith.constant 0 : i32
      %dma_wait3A_20 = tpu.memref_slice %arg9[%multiple_of3A, %dma_wait3A] : memref<10240x16xf32, #tpu.memory_space<vmem_shared>> -> memref<640x16xf32, #tpu.memory_space<vmem_shared>>
      %dma_wait3A_21 = arith.constant 0 : i32
      %dma_wait3A_22 = tpu.memref_slice %arg3[%multiple_of3A, %dma_wait3A_21] : memref<10240x16xf32, #tpu.memory_space<hbm>> -> memref<640x16xf32, #tpu.memory_space<hbm>>
      tpu.wait_dma2 semaphore(%run_scoped3A : memref<!tpu.dma_semaphore, #tpu.memory_space<semaphore_mem>>) src(%dma_wait3A_22 : memref<640x16xf32, #tpu.memory_space<hbm>>) dst(%dma_wait3A_20 : memref<640x16xf32, #tpu.memory_space<vmem_shared>>)
      tpu.yield
    }) : () -> ()
    "tpu.region"() ({
      %run_scoped3A = tpu.sem_alloc : memref<!tpu.dma_semaphore, #tpu.memory_space<semaphore_mem>>
      tpu.enqueue_dma source(%arg4 : memref<2048x16xf32, #tpu.memory_space<hbm>>) target(%arg8 : memref<2048x16xf32, #tpu.memory_space<vmem>>) target_semaphore(%run_scoped3A : memref<!tpu.dma_semaphore, #tpu.memory_space<semaphore_mem>>)
      tpu.wait_dma2 semaphore(%run_scoped3A : memref<!tpu.dma_semaphore, #tpu.memory_space<semaphore_mem>>) src(%arg4 : memref<2048x16xf32, #tpu.memory_space<hbm>>) dst(%arg8 : memref<2048x16xf32, #tpu.memory_space<vmem>>)
      tpu.yield
    }) : () -> ()
    %barrier3A = arith.constant 0 : index
    tpu.barrier barrier_id(%barrier3A)
    %mul3A_1 = arith.constant 2 : i32
    %mul3A_2 = arith.muli %arg1, %mul3A_1 : i32
    %add3A = arith.addi %mul3A_2, %arg0 : i32
    %mul3A_3 = arith.constant 10240 : i32
    %mul3A_4 = arith.muli %add3A, %mul3A_3 : i32
    %multiple_of3A_5 = tpu.assume_multiple %mul3A_4, 2048 : i32
    %add3A_6 = arith.constant 0 : i32
    %add3A_7 = arith.addi %multiple_of3A_5, %add3A_6 : i32
    %multiple_of3A_8 = tpu.assume_multiple %add3A_7, 128 : i32
    %dma_start3A = tpu.memref_slice %arg2[%multiple_of3A_8] : memref<327680xi32, #tpu.memory_space<hbm>> -> memref<2048xi32, #tpu.memory_space<hbm>>
    %dma_start3A_9 = tpu.memref_slice %arg2[%multiple_of3A_8] : memref<327680xi32, #tpu.memory_space<hbm>> -> memref<2048xi32, #tpu.memory_space<hbm>>
    tpu.enqueue_dma source(%dma_start3A_9 : memref<2048xi32, #tpu.memory_space<hbm>>) target(%arg6 : memref<2048xi32, #tpu.memory_space<vmem>>) target_semaphore(%arg10 : memref<!tpu.dma_semaphore, #tpu.memory_space<semaphore_mem>>)
    %scan3A = arith.constant 0 : i32
    %scan3A_10 = arith.constant 0 : i32
    %scan3A_11 = arith.constant 3 : i32
    %scan3A_12 = arith.addi %scan3A_10, %scan3A_11 : i32
    %scan3A_13 = arith.constant 1 : i32
    scf.for %scan3A_16 = %scan3A_10 to %scan3A_12 step %scan3A_13  : i32 {
      %mul3A_17 = arith.constant 2 : i32
      %mul3A_18 = arith.muli %scan3A_16, %mul3A_17 : i32
      %add3A_19 = arith.constant 1 : i32
      %add3A_20 = arith.addi %mul3A_18, %add3A_19 : i32
      %lt3A = arith.constant 5 : i32
      %lt3A_21 = arith.cmpi slt, %add3A_20, %lt3A : i32
      %convert_element_type3A = arith.extui %lt3A_21 : i1 to i32
      %cond3A = arith.constant 0 : i32
      %cond3A_22 = arith.cmpi ne, %convert_element_type3A, %cond3A : i32
      scf.if %cond3A_22 {
        %mul3A_29 = arith.constant 2048 : i32
        %mul3A_30 = arith.muli %add3A_20, %mul3A_29 : i32
        %add3A_31 = arith.addi %multiple_of3A_5, %mul3A_30 : i32
        %multiple_of3A_32 = tpu.assume_multiple %add3A_31, 128 : i32
        %dma_start3A_33 = tpu.memref_slice %arg2[%multiple_of3A_32] : memref<327680xi32, #tpu.memory_space<hbm>> -> memref<2048xi32, #tpu.memory_space<hbm>>
        %dma_start3A_34 = tpu.memref_slice %arg2[%multiple_of3A_32] : memref<327680xi32, #tpu.memory_space<hbm>> -> memref<2048xi32, #tpu.memory_space<hbm>>
        tpu.enqueue_dma source(%dma_start3A_34 : memref<2048xi32, #tpu.memory_space<hbm>>) target(%arg7 : memref<2048xi32, #tpu.memory_space<vmem>>) target_semaphore(%arg11 : memref<!tpu.dma_semaphore, #tpu.memory_space<semaphore_mem>>)
      } else {
      }
      %dma_wait3A = tpu.memref_slice %arg2[%multiple_of3A_5] : memref<327680xi32, #tpu.memory_space<hbm>> -> memref<2048xi32, #tpu.memory_space<hbm>>
      %dma_wait3A_23 = tpu.memref_slice %arg2[%multiple_of3A_5] : memref<327680xi32, #tpu.memory_space<hbm>> -> memref<2048xi32, #tpu.memory_space<hbm>>
      tpu.wait_dma2 semaphore(%arg10 : memref<!tpu.dma_semaphore, #tpu.memory_space<semaphore_mem>>) src(%dma_wait3A_23 : memref<2048xi32, #tpu.memory_space<hbm>>) dst(%arg6 : memref<2048xi32, #tpu.memory_space<vmem>>)
      "tpu.region"() ({
        %run_scoped3A = tpu.sem_alloc : memref<!tpu.dma_semaphore, #tpu.memory_space<semaphore_mem>>
        %dma_start3A_29 = arith.constant 0 : i32
        %dma_start3A_30 = arith.constant 0 : i32
        %dma_start3A_31 = tpu.memref_slice %arg9[%dma_start3A_29, %dma_start3A_30] : memref<10240x16xf32, #tpu.memory_space<vmem_shared>> -> memref<10240x16xf32, #tpu.memory_space<vmem_shared>>
        tpu.enqueue_indirect_dma source(%arg8 : memref<2048x16xf32, #tpu.memory_space<vmem>>) target(%dma_start3A_31 : memref<10240x16xf32, #tpu.memory_space<vmem_shared>>) offsets(%arg6 : memref<2048xi32, #tpu.memory_space<vmem>>) semaphore(%run_scoped3A : memref<!tpu.dma_semaphore, #tpu.memory_space<semaphore_mem>>) {add = true}
        %dma_wait3A_32 = arith.constant 0 : i32
        %dma_wait3A_33 = arith.constant 0 : i32
        %dma_wait3A_34 = tpu.memref_slice %arg9[%dma_wait3A_32, %dma_wait3A_33] : memref<10240x16xf32, #tpu.memory_space<vmem_shared>> -> memref<10240x16xf32, #tpu.memory_space<vmem_shared>>
        tpu.wait_indirect_dma semaphore(%run_scoped3A : memref<!tpu.dma_semaphore, #tpu.memory_space<semaphore_mem>>) src(%arg8 : memref<2048x16xf32, #tpu.memory_space<vmem>>) dst(%dma_wait3A_34 : memref<10240x16xf32, #tpu.memory_space<vmem_shared>>)
        tpu.yield
      }) : () -> ()
      %lt3A_24 = arith.constant 5 : i32
      %lt3A_25 = arith.cmpi slt, %add3A_20, %lt3A_24 : i32
      %convert_element_type3A_26 = arith.extui %lt3A_25 : i1 to i32
      %cond3A_27 = arith.constant 0 : i32
      %cond3A_28 = arith.cmpi ne, %convert_element_type3A_26, %cond3A_27 : i32
      scf.if %cond3A_28 {
        %add3A_29 = arith.constant 1 : i32
        %add3A_30 = arith.addi %add3A_20, %add3A_29 : i32
        %lt3A_31 = arith.constant 5 : i32
        %lt3A_32 = arith.cmpi slt, %add3A_30, %lt3A_31 : i32
        %convert_element_type3A_33 = arith.extui %lt3A_32 : i1 to i32
        %cond3A_34 = arith.constant 0 : i32
        %cond3A_35 = arith.cmpi ne, %convert_element_type3A_33, %cond3A_34 : i32
        scf.if %cond3A_35 {
          %add3A_38 = arith.constant 1 : i32
          %add3A_39 = arith.addi %add3A_20, %add3A_38 : i32
          %mul3A_40 = arith.constant 2048 : i32
          %mul3A_41 = arith.muli %add3A_39, %mul3A_40 : i32
          %add3A_42 = arith.addi %multiple_of3A_5, %mul3A_41 : i32
          %multiple_of3A_43 = tpu.assume_multiple %add3A_42, 128 : i32
          %dma_start3A_44 = tpu.memref_slice %arg2[%multiple_of3A_43] : memref<327680xi32, #tpu.memory_space<hbm>> -> memref<2048xi32, #tpu.memory_space<hbm>>
          %dma_start3A_45 = tpu.memref_slice %arg2[%multiple_of3A_43] : memref<327680xi32, #tpu.memory_space<hbm>> -> memref<2048xi32, #tpu.memory_space<hbm>>
          tpu.enqueue_dma source(%dma_start3A_45 : memref<2048xi32, #tpu.memory_space<hbm>>) target(%arg6 : memref<2048xi32, #tpu.memory_space<vmem>>) target_semaphore(%arg10 : memref<!tpu.dma_semaphore, #tpu.memory_space<semaphore_mem>>)
        } else {
        }
        %dma_wait3A_36 = tpu.memref_slice %arg2[%multiple_of3A_5] : memref<327680xi32, #tpu.memory_space<hbm>> -> memref<2048xi32, #tpu.memory_space<hbm>>
        %dma_wait3A_37 = tpu.memref_slice %arg2[%multiple_of3A_5] : memref<327680xi32, #tpu.memory_space<hbm>> -> memref<2048xi32, #tpu.memory_space<hbm>>
        tpu.wait_dma2 semaphore(%arg11 : memref<!tpu.dma_semaphore, #tpu.memory_space<semaphore_mem>>) src(%dma_wait3A_37 : memref<2048xi32, #tpu.memory_space<hbm>>) dst(%arg7 : memref<2048xi32, #tpu.memory_space<vmem>>)
        "tpu.region"() ({
          %run_scoped3A = tpu.sem_alloc : memref<!tpu.dma_semaphore, #tpu.memory_space<semaphore_mem>>
          %dma_start3A_38 = arith.constant 0 : i32
          %dma_start3A_39 = arith.constant 0 : i32
          %dma_start3A_40 = tpu.memref_slice %arg9[%dma_start3A_38, %dma_start3A_39] : memref<10240x16xf32, #tpu.memory_space<vmem_shared>> -> memref<10240x16xf32, #tpu.memory_space<vmem_shared>>
          tpu.enqueue_indirect_dma source(%arg8 : memref<2048x16xf32, #tpu.memory_space<vmem>>) target(%dma_start3A_40 : memref<10240x16xf32, #tpu.memory_space<vmem_shared>>) offsets(%arg7 : memref<2048xi32, #tpu.memory_space<vmem>>) semaphore(%run_scoped3A : memref<!tpu.dma_semaphore, #tpu.memory_space<semaphore_mem>>) {add = true}
          %dma_wait3A_41 = arith.constant 0 : i32
          %dma_wait3A_42 = arith.constant 0 : i32
          %dma_wait3A_43 = tpu.memref_slice %arg9[%dma_wait3A_41, %dma_wait3A_42] : memref<10240x16xf32, #tpu.memory_space<vmem_shared>> -> memref<10240x16xf32, #tpu.memory_space<vmem_shared>>
          tpu.wait_indirect_dma semaphore(%run_scoped3A : memref<!tpu.dma_semaphore, #tpu.memory_space<semaphore_mem>>) src(%arg8 : memref<2048x16xf32, #tpu.memory_space<vmem>>) dst(%dma_wait3A_43 : memref<10240x16xf32, #tpu.memory_space<vmem_shared>>)
          tpu.yield
        }) : () -> ()
      } else {
      }
    }
    %scan3A_14 = arith.constant 3 : i32
    %barrier3A_15 = arith.constant 0 : index
    tpu.barrier barrier_id(%barrier3A_15)
    "tpu.region"() ({
      %run_scoped3A = tpu.sem_alloc : memref<!tpu.dma_semaphore, #tpu.memory_space<semaphore_mem>>
      %dma_start3A_16 = arith.constant 0 : i32
      %dma_start3A_17 = tpu.memref_slice %arg5[%arg0, %multiple_of3A, %dma_start3A_16] : memref<2x10240x16xf32, #tpu.memory_space<hbm>> -> memref<1x640x16xf32, #tpu.memory_space<hbm>>
      %dma_start3A_18 = tpu.memref_squeeze %dma_start3A_17 : memref<1x640x16xf32, #tpu.memory_space<hbm>> -> memref<640x16xf32, #tpu.memory_space<hbm>>
      %dma_start3A_19 = arith.constant 0 : i32
      %dma_start3A_20 = tpu.memref_slice %arg9[%multiple_of3A, %dma_start3A_19] : memref<10240x16xf32, #tpu.memory_space<vmem_shared>> -> memref<640x16xf32, #tpu.memory_space<vmem_shared>>
      tpu.enqueue_dma source(%dma_start3A_20 : memref<640x16xf32, #tpu.memory_space<vmem_shared>>) target(%dma_start3A_18 : memref<640x16xf32, #tpu.memory_space<hbm>>) target_semaphore(%run_scoped3A : memref<!tpu.dma_semaphore, #tpu.memory_space<semaphore_mem>>)
      %dma_wait3A = arith.constant 0 : i32
      %dma_wait3A_21 = tpu.memref_slice %arg5[%arg0, %multiple_of3A, %dma_wait3A] : memref<2x10240x16xf32, #tpu.memory_space<hbm>> -> memref<1x640x16xf32, #tpu.memory_space<hbm>>
      %dma_wait3A_22 = tpu.memref_squeeze %dma_wait3A_21 : memref<1x640x16xf32, #tpu.memory_space<hbm>> -> memref<640x16xf32, #tpu.memory_space<hbm>>
      %dma_wait3A_23 = arith.constant 0 : i32
      %dma_wait3A_24 = tpu.memref_slice %arg9[%multiple_of3A, %dma_wait3A_23] : memref<10240x16xf32, #tpu.memory_space<vmem_shared>> -> memref<640x16xf32, #tpu.memory_space<vmem_shared>>
      tpu.wait_dma2 semaphore(%run_scoped3A : memref<!tpu.dma_semaphore, #tpu.memory_space<semaphore_mem>>) src(%dma_wait3A_24 : memref<640x16xf32, #tpu.memory_space<vmem_shared>>) dst(%dma_wait3A_22 : memref<640x16xf32, #tpu.memory_space<hbm>>)
      tpu.yield
    }) : () -> ()
    return
  }
}

#map = affine_map<(d0, d1) -> (0, 0)>
#map1 = affine_map<(d0, d1) -> (0)>
#map2 = affine_map<(d0, d1) -> (0, 0, 0)>
module attributes {stable_mosaic.version = 14 : i64} {
  func.func @body(%arg0: i32, %arg1: i32, %arg2: memref<10240x16xf32, #tpu.memory_space<hbm>>, %arg3: memref<327680xi32, #tpu.memory_space<hbm>>, %arg4: memref<327680xi32, #tpu.memory_space<hbm>>, %arg5: memref<10240x16xf32, #tpu.memory_space<hbm>>, %arg6: memref<2x10240x16xf32, #tpu.memory_space<hbm>>, %arg7: memref<10240xi32, #tpu.memory_space<vmem>>, %arg8: memref<1024xi32, #tpu.memory_space<vmem>>, %arg9: memref<1024xi32, #tpu.memory_space<vmem>>, %arg10: memref<1024x16xf32, #tpu.memory_space<vmem>>, %arg11: memref<1024x16xf32, #tpu.memory_space<vmem>>, %arg12: memref<10240x16xf32, #tpu.memory_space<vmem_shared>>, %arg13: memref<10240x16xf32, #tpu.memory_space<vmem_shared>>, %arg14: memref<!tpu.dma_semaphore, #tpu.memory_space<semaphore_mem>>, %arg15: memref<!tpu.dma_semaphore, #tpu.memory_space<semaphore_mem>>, %arg16: memref<!tpu.dma_semaphore, #tpu.memory_space<semaphore_mem>>, %arg17: memref<!tpu.dma_semaphore, #tpu.memory_space<semaphore_mem>>) attributes {dimension_semantics = [#tpu.dimension_semantics<core_parallel>, #tpu.dimension_semantics<subcore_parallel>], iteration_bounds = array<i64: 2, 16>, scalar_prefetch = 0 : i64, scratch_operands = 11 : i64, tpu.core_type = #tpu.core_type<sc_vector_subcore>, window_params = [{transform_indices = #map}, {transform_indices = #map1}, {transform_indices = #map1}, {transform_indices = #map}, {transform_indices = #map2}]} {
    %mul3A = arith.constant 640 : i32
    %mul3A_0 = arith.muli %arg1, %mul3A : i32
    %multiple_of3A = tpu.assume_multiple %mul3A_0, 8 : i32
    "tpu.region"() ({
      %run_scoped3A = tpu.sem_alloc : memref<!tpu.dma_semaphore, #tpu.memory_space<semaphore_mem>>
      %dma_start3A_22 = arith.constant 0 : i32
      %dma_start3A_23 = tpu.memref_slice %arg13[%multiple_of3A, %dma_start3A_22] : memref<10240x16xf32, #tpu.memory_space<vmem_shared>> -> memref<640x16xf32, #tpu.memory_space<vmem_shared>>
      %dma_start3A_24 = arith.constant 0 : i32
      %dma_start3A_25 = tpu.memref_slice %arg5[%multiple_of3A, %dma_start3A_24] : memref<10240x16xf32, #tpu.memory_space<hbm>> -> memref<640x16xf32, #tpu.memory_space<hbm>>
      tpu.enqueue_dma source(%dma_start3A_25 : memref<640x16xf32, #tpu.memory_space<hbm>>) target(%dma_start3A_23 : memref<640x16xf32, #tpu.memory_space<vmem_shared>>) target_semaphore(%run_scoped3A : memref<!tpu.dma_semaphore, #tpu.memory_space<semaphore_mem>>)
      %dma_wait3A = arith.constant 0 : i32
      %dma_wait3A_26 = tpu.memref_slice %arg13[%multiple_of3A, %dma_wait3A] : memref<10240x16xf32, #tpu.memory_space<vmem_shared>> -> memref<640x16xf32, #tpu.memory_space<vmem_shared>>
      %dma_wait3A_27 = arith.constant 0 : i32
      %dma_wait3A_28 = tpu.memref_slice %arg5[%multiple_of3A, %dma_wait3A_27] : memref<10240x16xf32, #tpu.memory_space<hbm>> -> memref<640x16xf32, #tpu.memory_space<hbm>>
      tpu.wait_dma2 semaphore(%run_scoped3A : memref<!tpu.dma_semaphore, #tpu.memory_space<semaphore_mem>>) src(%dma_wait3A_28 : memref<640x16xf32, #tpu.memory_space<hbm>>) dst(%dma_wait3A_26 : memref<640x16xf32, #tpu.memory_space<vmem_shared>>)
      tpu.yield
    }) : () -> ()
    "tpu.region"() ({
      %run_scoped3A = tpu.sem_alloc : memref<!tpu.dma_semaphore, #tpu.memory_space<semaphore_mem>>
      %dma_start3A_22 = arith.constant 0 : i32
      %dma_start3A_23 = tpu.memref_slice %arg12[%multiple_of3A, %dma_start3A_22] : memref<10240x16xf32, #tpu.memory_space<vmem_shared>> -> memref<640x16xf32, #tpu.memory_space<vmem_shared>>
      %dma_start3A_24 = arith.constant 0 : i32
      %dma_start3A_25 = tpu.memref_slice %arg2[%multiple_of3A, %dma_start3A_24] : memref<10240x16xf32, #tpu.memory_space<hbm>> -> memref<640x16xf32, #tpu.memory_space<hbm>>
      tpu.enqueue_dma source(%dma_start3A_25 : memref<640x16xf32, #tpu.memory_space<hbm>>) target(%dma_start3A_23 : memref<640x16xf32, #tpu.memory_space<vmem_shared>>) target_semaphore(%run_scoped3A : memref<!tpu.dma_semaphore, #tpu.memory_space<semaphore_mem>>)
      %dma_wait3A = arith.constant 0 : i32
      %dma_wait3A_26 = tpu.memref_slice %arg12[%multiple_of3A, %dma_wait3A] : memref<10240x16xf32, #tpu.memory_space<vmem_shared>> -> memref<640x16xf32, #tpu.memory_space<vmem_shared>>
      %dma_wait3A_27 = arith.constant 0 : i32
      %dma_wait3A_28 = tpu.memref_slice %arg2[%multiple_of3A, %dma_wait3A_27] : memref<10240x16xf32, #tpu.memory_space<hbm>> -> memref<640x16xf32, #tpu.memory_space<hbm>>
      tpu.wait_dma2 semaphore(%run_scoped3A : memref<!tpu.dma_semaphore, #tpu.memory_space<semaphore_mem>>) src(%dma_wait3A_28 : memref<640x16xf32, #tpu.memory_space<hbm>>) dst(%dma_wait3A_26 : memref<640x16xf32, #tpu.memory_space<vmem_shared>>)
      tpu.yield
    }) : () -> ()
    %mul3A_1 = arith.constant 2 : i32
    %mul3A_2 = arith.muli %arg1, %mul3A_1 : i32
    %add3A = arith.addi %mul3A_2, %arg0 : i32
    %mul3A_3 = arith.constant 10240 : i32
    %mul3A_4 = arith.muli %add3A, %mul3A_3 : i32
    %multiple_of3A_5 = tpu.assume_multiple %mul3A_4, 1024 : i32
    "tpu.region"() ({
      %run_scoped3A = tpu.sem_alloc : memref<!tpu.dma_semaphore, #tpu.memory_space<semaphore_mem>>
      %dma_start3A_22 = tpu.memref_slice %arg3[%multiple_of3A_5] : memref<327680xi32, #tpu.memory_space<hbm>> -> memref<10240xi32, #tpu.memory_space<hbm>>
      %dma_start3A_23 = tpu.memref_slice %arg3[%multiple_of3A_5] : memref<327680xi32, #tpu.memory_space<hbm>> -> memref<10240xi32, #tpu.memory_space<hbm>>
      tpu.enqueue_dma source(%dma_start3A_23 : memref<10240xi32, #tpu.memory_space<hbm>>) target(%arg7 : memref<10240xi32, #tpu.memory_space<vmem>>) target_semaphore(%run_scoped3A : memref<!tpu.dma_semaphore, #tpu.memory_space<semaphore_mem>>)
      %dma_wait3A = tpu.memref_slice %arg3[%multiple_of3A_5] : memref<327680xi32, #tpu.memory_space<hbm>> -> memref<10240xi32, #tpu.memory_space<hbm>>
      %dma_wait3A_24 = tpu.memref_slice %arg3[%multiple_of3A_5] : memref<327680xi32, #tpu.memory_space<hbm>> -> memref<10240xi32, #tpu.memory_space<hbm>>
      tpu.wait_dma2 semaphore(%run_scoped3A : memref<!tpu.dma_semaphore, #tpu.memory_space<semaphore_mem>>) src(%dma_wait3A_24 : memref<10240xi32, #tpu.memory_space<hbm>>) dst(%arg7 : memref<10240xi32, #tpu.memory_space<vmem>>)
      tpu.yield
    }) : () -> ()
    %barrier3A = arith.constant 0 : index
    tpu.barrier barrier_id(%barrier3A)
    %multiple_of3A_6 = arith.constant 0 : i32
    %multiple_of3A_7 = tpu.assume_multiple %multiple_of3A_6, 1024 : i32
    %add3A_8 = arith.constant 0 : i32
    %add3A_9 = arith.addi %multiple_of3A_5, %add3A_8 : i32
    %multiple_of3A_10 = tpu.assume_multiple %add3A_9, 1024 : i32
    %dma_start3A = tpu.memref_slice %arg7[%multiple_of3A_7] : memref<10240xi32, #tpu.memory_space<vmem>> -> memref<1024xi32, #tpu.memory_space<vmem>>
    %dma_start3A_11 = arith.constant 0 : i32
    %dma_start3A_12 = arith.constant 0 : i32
    %dma_start3A_13 = tpu.memref_slice %arg12[%dma_start3A_11, %dma_start3A_12] : memref<10240x16xf32, #tpu.memory_space<vmem_shared>> -> memref<10240x16xf32, #tpu.memory_space<vmem_shared>>
    tpu.enqueue_indirect_dma source(%dma_start3A_13 : memref<10240x16xf32, #tpu.memory_space<vmem_shared>>) target(%arg10 : memref<1024x16xf32, #tpu.memory_space<vmem>>) offsets(%dma_start3A : memref<1024xi32, #tpu.memory_space<vmem>>) semaphore(%arg14 : memref<!tpu.dma_semaphore, #tpu.memory_space<semaphore_mem>>)
    %dma_start3A_14 = tpu.memref_slice %arg4[%multiple_of3A_10] : memref<327680xi32, #tpu.memory_space<hbm>> -> memref<1024xi32, #tpu.memory_space<hbm>>
    %dma_start3A_15 = tpu.memref_slice %arg4[%multiple_of3A_10] : memref<327680xi32, #tpu.memory_space<hbm>> -> memref<1024xi32, #tpu.memory_space<hbm>>
    tpu.enqueue_dma source(%dma_start3A_15 : memref<1024xi32, #tpu.memory_space<hbm>>) target(%arg8 : memref<1024xi32, #tpu.memory_space<vmem>>) target_semaphore(%arg16 : memref<!tpu.dma_semaphore, #tpu.memory_space<semaphore_mem>>)
    %scan3A = arith.constant 0 : i32
    %scan3A_16 = arith.constant 0 : i32
    %scan3A_17 = arith.constant 5 : i32
    %scan3A_18 = arith.addi %scan3A_16, %scan3A_17 : i32
    %scan3A_19 = arith.constant 1 : i32
    scf.for %scan3A_22 = %scan3A_16 to %scan3A_18 step %scan3A_19  : i32 {
      %mul3A_23 = arith.constant 2 : i32
      %mul3A_24 = arith.muli %scan3A_22, %mul3A_23 : i32
      %add3A_25 = arith.constant 1 : i32
      %add3A_26 = arith.addi %mul3A_24, %add3A_25 : i32
      %lt3A = arith.constant 10 : i32
      %lt3A_27 = arith.cmpi slt, %add3A_26, %lt3A : i32
      %convert_element_type3A = arith.extui %lt3A_27 : i1 to i32
      %cond3A = arith.constant 0 : i32
      %cond3A_28 = arith.cmpi ne, %convert_element_type3A, %cond3A : i32
      scf.if %cond3A_28 {
        %mul3A_42 = arith.constant 1024 : i32
        %mul3A_43 = arith.muli %add3A_26, %mul3A_42 : i32
        %multiple_of3A_44 = tpu.assume_multiple %mul3A_43, 1024 : i32
        %mul3A_45 = arith.constant 1024 : i32
        %mul3A_46 = arith.muli %add3A_26, %mul3A_45 : i32
        %add3A_47 = arith.addi %multiple_of3A_5, %mul3A_46 : i32
        %multiple_of3A_48 = tpu.assume_multiple %add3A_47, 1024 : i32
        %dma_start3A_49 = tpu.memref_slice %arg7[%multiple_of3A_44] : memref<10240xi32, #tpu.memory_space<vmem>> -> memref<1024xi32, #tpu.memory_space<vmem>>
        %dma_start3A_50 = arith.constant 0 : i32
        %dma_start3A_51 = arith.constant 0 : i32
        %dma_start3A_52 = tpu.memref_slice %arg12[%dma_start3A_50, %dma_start3A_51] : memref<10240x16xf32, #tpu.memory_space<vmem_shared>> -> memref<10240x16xf32, #tpu.memory_space<vmem_shared>>
        tpu.enqueue_indirect_dma source(%dma_start3A_52 : memref<10240x16xf32, #tpu.memory_space<vmem_shared>>) target(%arg11 : memref<1024x16xf32, #tpu.memory_space<vmem>>) offsets(%dma_start3A_49 : memref<1024xi32, #tpu.memory_space<vmem>>) semaphore(%arg15 : memref<!tpu.dma_semaphore, #tpu.memory_space<semaphore_mem>>)
        %dma_start3A_53 = tpu.memref_slice %arg4[%multiple_of3A_48] : memref<327680xi32, #tpu.memory_space<hbm>> -> memref<1024xi32, #tpu.memory_space<hbm>>
        %dma_start3A_54 = tpu.memref_slice %arg4[%multiple_of3A_48] : memref<327680xi32, #tpu.memory_space<hbm>> -> memref<1024xi32, #tpu.memory_space<hbm>>
        tpu.enqueue_dma source(%dma_start3A_54 : memref<1024xi32, #tpu.memory_space<hbm>>) target(%arg9 : memref<1024xi32, #tpu.memory_space<vmem>>) target_semaphore(%arg17 : memref<!tpu.dma_semaphore, #tpu.memory_space<semaphore_mem>>)
      } else {
      }
      %mul3A_29 = arith.constant 1024 : i32
      %mul3A_30 = arith.muli %mul3A_24, %mul3A_29 : i32
      %multiple_of3A_31 = tpu.assume_multiple %mul3A_30, 1024 : i32
      %dma_wait3A = tpu.memref_slice %arg7[%multiple_of3A_31] : memref<10240xi32, #tpu.memory_space<vmem>> -> memref<1024xi32, #tpu.memory_space<vmem>>
      %dma_wait3A_32 = arith.constant 0 : i32
      %dma_wait3A_33 = arith.constant 0 : i32
      %dma_wait3A_34 = tpu.memref_slice %arg12[%dma_wait3A_32, %dma_wait3A_33] : memref<10240x16xf32, #tpu.memory_space<vmem_shared>> -> memref<10240x16xf32, #tpu.memory_space<vmem_shared>>
      tpu.wait_indirect_dma semaphore(%arg14 : memref<!tpu.dma_semaphore, #tpu.memory_space<semaphore_mem>>) src(%dma_wait3A_34 : memref<10240x16xf32, #tpu.memory_space<vmem_shared>>) dst(%arg10 : memref<1024x16xf32, #tpu.memory_space<vmem>>)
      %dma_wait3A_35 = tpu.memref_slice %arg4[%multiple_of3A_5] : memref<327680xi32, #tpu.memory_space<hbm>> -> memref<1024xi32, #tpu.memory_space<hbm>>
      %dma_wait3A_36 = tpu.memref_slice %arg4[%multiple_of3A_5] : memref<327680xi32, #tpu.memory_space<hbm>> -> memref<1024xi32, #tpu.memory_space<hbm>>
      tpu.wait_dma2 semaphore(%arg16 : memref<!tpu.dma_semaphore, #tpu.memory_space<semaphore_mem>>) src(%dma_wait3A_36 : memref<1024xi32, #tpu.memory_space<hbm>>) dst(%arg8 : memref<1024xi32, #tpu.memory_space<vmem>>)
      "tpu.region"() ({
        %run_scoped3A = tpu.sem_alloc : memref<!tpu.dma_semaphore, #tpu.memory_space<semaphore_mem>>
        %dma_start3A_42 = arith.constant 0 : i32
        %dma_start3A_43 = arith.constant 0 : i32
        %dma_start3A_44 = tpu.memref_slice %arg13[%dma_start3A_42, %dma_start3A_43] : memref<10240x16xf32, #tpu.memory_space<vmem_shared>> -> memref<10240x16xf32, #tpu.memory_space<vmem_shared>>
        tpu.enqueue_indirect_dma source(%arg10 : memref<1024x16xf32, #tpu.memory_space<vmem>>) target(%dma_start3A_44 : memref<10240x16xf32, #tpu.memory_space<vmem_shared>>) offsets(%arg8 : memref<1024xi32, #tpu.memory_space<vmem>>) semaphore(%run_scoped3A : memref<!tpu.dma_semaphore, #tpu.memory_space<semaphore_mem>>) {add = true}
        %dma_wait3A_45 = arith.constant 0 : i32
        %dma_wait3A_46 = arith.constant 0 : i32
        %dma_wait3A_47 = tpu.memref_slice %arg13[%dma_wait3A_45, %dma_wait3A_46] : memref<10240x16xf32, #tpu.memory_space<vmem_shared>> -> memref<10240x16xf32, #tpu.memory_space<vmem_shared>>
        tpu.wait_indirect_dma semaphore(%run_scoped3A : memref<!tpu.dma_semaphore, #tpu.memory_space<semaphore_mem>>) src(%arg10 : memref<1024x16xf32, #tpu.memory_space<vmem>>) dst(%dma_wait3A_47 : memref<10240x16xf32, #tpu.memory_space<vmem_shared>>)
        tpu.yield
      }) : () -> ()
      %lt3A_37 = arith.constant 10 : i32
      %lt3A_38 = arith.cmpi slt, %add3A_26, %lt3A_37 : i32
      %convert_element_type3A_39 = arith.extui %lt3A_38 : i1 to i32
      %cond3A_40 = arith.constant 0 : i32
      %cond3A_41 = arith.cmpi ne, %convert_element_type3A_39, %cond3A_40 : i32
      scf.if %cond3A_41 {
        %add3A_42 = arith.constant 1 : i32
        %add3A_43 = arith.addi %add3A_26, %add3A_42 : i32
        %lt3A_44 = arith.constant 10 : i32
        %lt3A_45 = arith.cmpi slt, %add3A_43, %lt3A_44 : i32
        %convert_element_type3A_46 = arith.extui %lt3A_45 : i1 to i32
        %cond3A_47 = arith.constant 0 : i32
        %cond3A_48 = arith.cmpi ne, %convert_element_type3A_46, %cond3A_47 : i32
        scf.if %cond3A_48 {
          %add3A_58 = arith.constant 1 : i32
          %add3A_59 = arith.addi %add3A_26, %add3A_58 : i32
          %mul3A_60 = arith.constant 1024 : i32
          %mul3A_61 = arith.muli %add3A_59, %mul3A_60 : i32
          %multiple_of3A_62 = tpu.assume_multiple %mul3A_61, 1024 : i32
          %mul3A_63 = arith.constant 1024 : i32
          %mul3A_64 = arith.muli %add3A_59, %mul3A_63 : i32
          %add3A_65 = arith.addi %multiple_of3A_5, %mul3A_64 : i32
          %multiple_of3A_66 = tpu.assume_multiple %add3A_65, 1024 : i32
          %dma_start3A_67 = tpu.memref_slice %arg7[%multiple_of3A_62] : memref<10240xi32, #tpu.memory_space<vmem>> -> memref<1024xi32, #tpu.memory_space<vmem>>
          %dma_start3A_68 = arith.constant 0 : i32
          %dma_start3A_69 = arith.constant 0 : i32
          %dma_start3A_70 = tpu.memref_slice %arg12[%dma_start3A_68, %dma_start3A_69] : memref<10240x16xf32, #tpu.memory_space<vmem_shared>> -> memref<10240x16xf32, #tpu.memory_space<vmem_shared>>
          tpu.enqueue_indirect_dma source(%dma_start3A_70 : memref<10240x16xf32, #tpu.memory_space<vmem_shared>>) target(%arg10 : memref<1024x16xf32, #tpu.memory_space<vmem>>) offsets(%dma_start3A_67 : memref<1024xi32, #tpu.memory_space<vmem>>) semaphore(%arg14 : memref<!tpu.dma_semaphore, #tpu.memory_space<semaphore_mem>>)
          %dma_start3A_71 = tpu.memref_slice %arg4[%multiple_of3A_66] : memref<327680xi32, #tpu.memory_space<hbm>> -> memref<1024xi32, #tpu.memory_space<hbm>>
          %dma_start3A_72 = tpu.memref_slice %arg4[%multiple_of3A_66] : memref<327680xi32, #tpu.memory_space<hbm>> -> memref<1024xi32, #tpu.memory_space<hbm>>
          tpu.enqueue_dma source(%dma_start3A_72 : memref<1024xi32, #tpu.memory_space<hbm>>) target(%arg8 : memref<1024xi32, #tpu.memory_space<vmem>>) target_semaphore(%arg16 : memref<!tpu.dma_semaphore, #tpu.memory_space<semaphore_mem>>)
        } else {
        }
        %mul3A_49 = arith.constant 1024 : i32
        %mul3A_50 = arith.muli %add3A_26, %mul3A_49 : i32
        %multiple_of3A_51 = tpu.assume_multiple %mul3A_50, 1024 : i32
        %dma_wait3A_52 = tpu.memref_slice %arg7[%multiple_of3A_51] : memref<10240xi32, #tpu.memory_space<vmem>> -> memref<1024xi32, #tpu.memory_space<vmem>>
        %dma_wait3A_53 = arith.constant 0 : i32
        %dma_wait3A_54 = arith.constant 0 : i32
        %dma_wait3A_55 = tpu.memref_slice %arg12[%dma_wait3A_53, %dma_wait3A_54] : memref<10240x16xf32, #tpu.memory_space<vmem_shared>> -> memref<10240x16xf32, #tpu.memory_space<vmem_shared>>
        tpu.wait_indirect_dma semaphore(%arg15 : memref<!tpu.dma_semaphore, #tpu.memory_space<semaphore_mem>>) src(%dma_wait3A_55 : memref<10240x16xf32, #tpu.memory_space<vmem_shared>>) dst(%arg11 : memref<1024x16xf32, #tpu.memory_space<vmem>>)
        %dma_wait3A_56 = tpu.memref_slice %arg4[%multiple_of3A_5] : memref<327680xi32, #tpu.memory_space<hbm>> -> memref<1024xi32, #tpu.memory_space<hbm>>
        %dma_wait3A_57 = tpu.memref_slice %arg4[%multiple_of3A_5] : memref<327680xi32, #tpu.memory_space<hbm>> -> memref<1024xi32, #tpu.memory_space<hbm>>
        tpu.wait_dma2 semaphore(%arg17 : memref<!tpu.dma_semaphore, #tpu.memory_space<semaphore_mem>>) src(%dma_wait3A_57 : memref<1024xi32, #tpu.memory_space<hbm>>) dst(%arg9 : memref<1024xi32, #tpu.memory_space<vmem>>)
        "tpu.region"() ({
          %run_scoped3A = tpu.sem_alloc : memref<!tpu.dma_semaphore, #tpu.memory_space<semaphore_mem>>
          %dma_start3A_58 = arith.constant 0 : i32
          %dma_start3A_59 = arith.constant 0 : i32
          %dma_start3A_60 = tpu.memref_slice %arg13[%dma_start3A_58, %dma_start3A_59] : memref<10240x16xf32, #tpu.memory_space<vmem_shared>> -> memref<10240x16xf32, #tpu.memory_space<vmem_shared>>
          tpu.enqueue_indirect_dma source(%arg11 : memref<1024x16xf32, #tpu.memory_space<vmem>>) target(%dma_start3A_60 : memref<10240x16xf32, #tpu.memory_space<vmem_shared>>) offsets(%arg9 : memref<1024xi32, #tpu.memory_space<vmem>>) semaphore(%run_scoped3A : memref<!tpu.dma_semaphore, #tpu.memory_space<semaphore_mem>>) {add = true}
          %dma_wait3A_61 = arith.constant 0 : i32
          %dma_wait3A_62 = arith.constant 0 : i32
          %dma_wait3A_63 = tpu.memref_slice %arg13[%dma_wait3A_61, %dma_wait3A_62] : memref<10240x16xf32, #tpu.memory_space<vmem_shared>> -> memref<10240x16xf32, #tpu.memory_space<vmem_shared>>
          tpu.wait_indirect_dma semaphore(%run_scoped3A : memref<!tpu.dma_semaphore, #tpu.memory_space<semaphore_mem>>) src(%arg11 : memref<1024x16xf32, #tpu.memory_space<vmem>>) dst(%dma_wait3A_63 : memref<10240x16xf32, #tpu.memory_space<vmem_shared>>)
          tpu.yield
        }) : () -> ()
      } else {
      }
    }
    %scan3A_20 = arith.constant 5 : i32
    %barrier3A_21 = arith.constant 0 : index
    tpu.barrier barrier_id(%barrier3A_21)
    "tpu.region"() ({
      %run_scoped3A = tpu.sem_alloc : memref<!tpu.dma_semaphore, #tpu.memory_space<semaphore_mem>>
      %dma_start3A_22 = arith.constant 0 : i32
      %dma_start3A_23 = tpu.memref_slice %arg6[%arg0, %multiple_of3A, %dma_start3A_22] : memref<2x10240x16xf32, #tpu.memory_space<hbm>> -> memref<1x640x16xf32, #tpu.memory_space<hbm>>
      %dma_start3A_24 = tpu.memref_squeeze %dma_start3A_23 : memref<1x640x16xf32, #tpu.memory_space<hbm>> -> memref<640x16xf32, #tpu.memory_space<hbm>>
      %dma_start3A_25 = arith.constant 0 : i32
      %dma_start3A_26 = tpu.memref_slice %arg13[%multiple_of3A, %dma_start3A_25] : memref<10240x16xf32, #tpu.memory_space<vmem_shared>> -> memref<640x16xf32, #tpu.memory_space<vmem_shared>>
      tpu.enqueue_dma source(%dma_start3A_26 : memref<640x16xf32, #tpu.memory_space<vmem_shared>>) target(%dma_start3A_24 : memref<640x16xf32, #tpu.memory_space<hbm>>) target_semaphore(%run_scoped3A : memref<!tpu.dma_semaphore, #tpu.memory_space<semaphore_mem>>)
      %dma_wait3A = arith.constant 0 : i32
      %dma_wait3A_27 = tpu.memref_slice %arg6[%arg0, %multiple_of3A, %dma_wait3A] : memref<2x10240x16xf32, #tpu.memory_space<hbm>> -> memref<1x640x16xf32, #tpu.memory_space<hbm>>
      %dma_wait3A_28 = tpu.memref_squeeze %dma_wait3A_27 : memref<1x640x16xf32, #tpu.memory_space<hbm>> -> memref<640x16xf32, #tpu.memory_space<hbm>>
      %dma_wait3A_29 = arith.constant 0 : i32
      %dma_wait3A_30 = tpu.memref_slice %arg13[%multiple_of3A, %dma_wait3A_29] : memref<10240x16xf32, #tpu.memory_space<vmem_shared>> -> memref<640x16xf32, #tpu.memory_space<vmem_shared>>
      tpu.wait_dma2 semaphore(%run_scoped3A : memref<!tpu.dma_semaphore, #tpu.memory_space<semaphore_mem>>) src(%dma_wait3A_30 : memref<640x16xf32, #tpu.memory_space<vmem_shared>>) dst(%dma_wait3A_28 : memref<640x16xf32, #tpu.memory_space<hbm>>)
      tpu.yield
    }) : () -> ()
    return
  }
}

module attributes {stable_mosaic.version = 14 : i64} {
  func.func @_b1_body(%arg0: i32, %arg1: memref<256x128xf32, #tpu.memory_space<vmem>>, %arg2: memref<128x128xf32, #tpu.memory_space<vmem>>, %arg3: memref<256x128xf32, #tpu.memory_space<vmem>>) attributes {dimension_semantics = [#tpu.dimension_semantics<arbitrary>], iteration_bounds = array<i64: 40>, scalar_prefetch = 0 : i64, scratch_operands = 0 : i64, tpu.core_type = #tpu.core_type<tc>, window_params = [{transform_indices = @transform_0, window_bounds = array<i64: 256, 128>}, {pipeline_mode = #tpu.pipeline_mode<synchronous>, transform_indices = @transform_1, window_bounds = array<i64: 128, 128>}, {transform_indices = @transform_2, window_bounds = array<i64: 256, 128>}]} {
    %get3A = arith.constant 0 : index
    %get3A_0 = arith.constant 0 : index
    %get3A_1 = vector.load %arg1[%get3A, %get3A_0] : memref<256x128xf32, #tpu.memory_space<vmem>>, vector<256x128xf32>
    %convert_element_type3A = arith.truncf %get3A_1 : vector<256x128xf32> to vector<256x128xbf16>
    %convert_element_type3A_2 = arith.extf %convert_element_type3A : vector<256x128xbf16> to vector<256x128xf32>
    %get3A_3 = arith.constant 0 : index
    %get3A_4 = arith.constant 0 : index
    %get3A_5 = vector.load %arg2[%get3A_3, %get3A_4] : memref<128x128xf32, #tpu.memory_space<vmem>>, vector<128x128xf32>
    %convert_element_type3A_6 = arith.truncf %get3A_5 : vector<128x128xf32> to vector<128x128xbf16>
    %convert_element_type3A_7 = arith.extf %convert_element_type3A_6 : vector<128x128xbf16> to vector<128x128xf32>
    %dot_general3A = arith.constant dense<0.000000e+00> : vector<256x128xf32>
    %dot_general3A_8 = tpu.matmul %convert_element_type3A_2, %convert_element_type3A_7, %dot_general3A {dimension_numbers = #tpu.dot_dimension_numbers<[1], [0], [0], [1], [0, 0, 1, 1], [], []>, precision = #tpu.contract_precision<fp32>, transpose_lhs_hint = false} : vector<256x128xf32>, vector<128x128xf32>, vector<256x128xf32> -> vector<256x128xf32>
    %swap3A = arith.constant 0 : index
    %swap3A_9 = arith.constant 0 : index
    %swap3A_10 = vector.load %arg3[%swap3A, %swap3A_9] : memref<256x128xf32, #tpu.memory_space<vmem>>, vector<256x128xf32>
    tpu.vector_store %arg3[%swap3A, %swap3A_9], %dot_general3A_8 {strides = array<i32>} : memref<256x128xf32, #tpu.memory_space<vmem>>, vector<256x128xf32>,
    return
  }
  func.func @transform_0(%arg0: i32) -> (i32, i32) {
    %c0_i32 = arith.constant 0 : i32
    %c0_i32_0 = arith.constant 0 : i32
    return %arg0, %c0_i32 : i32, i32
  }
  func.func @transform_1(%arg0: i32) -> (i32, i32) {
    %c0_i32 = arith.constant 0 : i32
    %c0_i32_0 = arith.constant 0 : i32
    %c0_i32_1 = arith.constant 0 : i32
    return %c0_i32, %c0_i32_0 : i32, i32
  }
  func.func @transform_2(%arg0: i32) -> (i32, i32) {
    %c0_i32 = arith.constant 0 : i32
    %c0_i32_0 = arith.constant 0 : i32
    return %arg0, %c0_i32 : i32, i32
  }
}

module attributes {stable_mosaic.version = 14 : i64} {
  func.func @_b2_body(%arg0: i32, %arg1: memref<256x128xf32, #tpu.memory_space<vmem>>, %arg2: memref<2x256x16xf32, #tpu.memory_space<vmem>>, %arg3: memref<256x128xf32, #tpu.memory_space<vmem>>, %arg4: memref<256x1xf32, #tpu.memory_space<vmem>>) attributes {dimension_semantics = [#tpu.dimension_semantics<arbitrary>], iteration_bounds = array<i64: 40>, scalar_prefetch = 0 : i64, scratch_operands = 0 : i64, tpu.core_type = #tpu.core_type<tc>, window_params = [{transform_indices = @transform_0, window_bounds = array<i64: 256, 128>}, {transform_indices = @transform_1, window_bounds = array<i64: 2, 256, 16>}, {transform_indices = @transform_2, window_bounds = array<i64: 256, 128>}, {transform_indices = @transform_3, window_bounds = array<i64: 256, 1>}]} {
    %get3A = arith.constant 0 : index
    %get3A_0 = arith.constant 0 : index
    %get3A_1 = arith.constant 0 : index
    %get3A_2 = vector.load %arg2[%get3A, %get3A_0, %get3A_1] : memref<2x256x16xf32, #tpu.memory_space<vmem>>, vector<1x256x16xf32>
    %get3A_3 = vector.shape_cast %get3A_2 : vector<1x256x16xf32> to vector<256x16xf32>
    %get3A_4 = arith.constant 1 : index
    %get3A_5 = arith.constant 0 : index
    %get3A_6 = arith.constant 0 : index
    %get3A_7 = vector.load %arg2[%get3A_4, %get3A_5, %get3A_6] : memref<2x256x16xf32, #tpu.memory_space<vmem>>, vector<1x256x16xf32>
    %get3A_8 = vector.shape_cast %get3A_7 : vector<1x256x16xf32> to vector<256x16xf32>
    %add3A = arith.addf %get3A_3, %get3A_8 : vector<256x16xf32>
    %reduce_sum3A = arith.constant dense<0.000000e+00> : vector<256xf32>
    %reduce_sum3A_9 = vector.multi_reduction <add>, %add3A, %reduce_sum3A [1] : vector<256x16xf32> to vector<256xf32>
    %broadcast_in_dim3A = vector.shape_cast %reduce_sum3A_9 : vector<256xf32> to vector<256x1xf32>
    %add3A_10 = arith.constant 1.000000e+00 : f32
    %add3A_11 = vector.broadcast %add3A_10 : f32 to vector<256x1xf32>
    %add3A_12 = arith.addf %broadcast_in_dim3A, %add3A_11 : vector<256x1xf32>
    %rsqrt3A = math.rsqrt %add3A_12 : vector<256x1xf32>
    %get3A_13 = arith.constant 0 : index
    %get3A_14 = arith.constant 0 : index
    %get3A_15 = vector.load %arg1[%get3A_13, %get3A_14] : memref<256x128xf32, #tpu.memory_space<vmem>>, vector<256x128xf32>
    %mul3A = vector.broadcast %rsqrt3A : vector<256x1xf32> to vector<256x128xf32>
    %mul3A_16 = arith.mulf %get3A_15, %mul3A : vector<256x128xf32>
    %swap3A = arith.constant 0 : index
    %swap3A_17 = arith.constant 0 : index
    %swap3A_18 = vector.load %arg3[%swap3A, %swap3A_17] : memref<256x128xf32, #tpu.memory_space<vmem>>, vector<256x128xf32>
    tpu.vector_store %arg3[%swap3A, %swap3A_17], %mul3A_16 {strides = array<i32>} : memref<256x128xf32, #tpu.memory_space<vmem>>, vector<256x128xf32>,
    %swap3A_19 = arith.constant 0 : index
    %swap3A_20 = arith.constant 0 : index
    %swap3A_21 = vector.load %arg4[%swap3A_19, %swap3A_20] : memref<256x1xf32, #tpu.memory_space<vmem>>, vector<256x1xf32>
    tpu.vector_store %arg4[%swap3A_19, %swap3A_20], %rsqrt3A {strides = array<i32>} : memref<256x1xf32, #tpu.memory_space<vmem>>, vector<256x1xf32>,
    return
  }
  func.func @transform_0(%arg0: i32) -> (i32, i32) {
    %c0_i32 = arith.constant 0 : i32
    %c0_i32_0 = arith.constant 0 : i32
    return %arg0, %c0_i32 : i32, i32
  }
  func.func @transform_1(%arg0: i32) -> (i32, i32, i32) {
    %c0_i32 = arith.constant 0 : i32
    %c0_i32_0 = arith.constant 0 : i32
    %c0_i32_1 = arith.constant 0 : i32
    return %c0_i32, %arg0, %c0_i32_0 : i32, i32, i32
  }
  func.func @transform_2(%arg0: i32) -> (i32, i32) {
    %c0_i32 = arith.constant 0 : i32
    %c0_i32_0 = arith.constant 0 : i32
    return %arg0, %c0_i32 : i32, i32
  }
  func.func @transform_3(%arg0: i32) -> (i32, i32) {
    %c0_i32 = arith.constant 0 : i32
    %c0_i32_0 = arith.constant 0 : i32
    return %arg0, %c0_i32 : i32, i32
  }
}

module attributes {stable_mosaic.version = 14 : i64} {
  func.func @_d_body(%arg0: i32, %arg1: memref<2x256x128xf32, #tpu.memory_space<vmem>>, %arg2: memref<256x128xf32, #tpu.memory_space<vmem>>, %arg3: memref<256x1xf32, #tpu.memory_space<vmem>>, %arg4: memref<128xf32, #tpu.memory_space<vmem>>, %arg5: memref<128x128xf32, #tpu.memory_space<vmem>>, %arg6: memref<128x1xf32, #tpu.memory_space<vmem>>, %arg7: memref<256x16xf32, #tpu.memory_space<vmem>>) attributes {dimension_semantics = [#tpu.dimension_semantics<arbitrary>], iteration_bounds = array<i64: 40>, scalar_prefetch = 0 : i64, scratch_operands = 0 : i64, tpu.core_type = #tpu.core_type<tc>, window_params = [{transform_indices = @transform_0, window_bounds = array<i64: 2, 256, 128>}, {transform_indices = @transform_1, window_bounds = array<i64: 256, 128>}, {transform_indices = @transform_2, window_bounds = array<i64: 256, 1>}, {pipeline_mode = #tpu.pipeline_mode<synchronous>, transform_indices = @transform_3, window_bounds = array<i64: 128>}, {pipeline_mode = #tpu.pipeline_mode<synchronous>, transform_indices = @transform_4, window_bounds = array<i64: 128, 128>}, {pipeline_mode = #tpu.pipeline_mode<synchronous>, transform_indices = @transform_5, window_bounds = array<i64: 128, 1>}, {transform_indices = @transform_6, window_bounds = array<i64: 256, 16>}]} {
    %get3A = arith.constant 0 : index
    %get3A_0 = arith.constant 0 : index
    %get3A_1 = vector.load %arg3[%get3A, %get3A_0] : memref<256x1xf32, #tpu.memory_space<vmem>>, vector<256x1xf32>
    %get3A_2 = arith.constant 0 : index
    %get3A_3 = arith.constant 0 : index
    %get3A_4 = arith.constant 0 : index
    %get3A_5 = vector.load %arg1[%get3A_2, %get3A_3, %get3A_4] : memref<2x256x128xf32, #tpu.memory_space<vmem>>, vector<1x256x128xf32>
    %get3A_6 = vector.shape_cast %get3A_5 : vector<1x256x128xf32> to vector<256x128xf32>
    %get3A_7 = arith.constant 1 : index
    %get3A_8 = arith.constant 0 : index
    %get3A_9 = arith.constant 0 : index
    %get3A_10 = vector.load %arg1[%get3A_7, %get3A_8, %get3A_9] : memref<2x256x128xf32, #tpu.memory_space<vmem>>, vector<1x256x128xf32>
    %get3A_11 = vector.shape_cast %get3A_10 : vector<1x256x128xf32> to vector<256x128xf32>
    %add3A = arith.addf %get3A_6, %get3A_11 : vector<256x128xf32>
    %get3A_12 = arith.constant 0 : index
    %get3A_13 = arith.constant 0 : index
    %get3A_14 = vector.load %arg2[%get3A_12, %get3A_13] : memref<256x128xf32, #tpu.memory_space<vmem>>, vector<256x128xf32>
    %add3A_15 = arith.addf %add3A, %get3A_14 : vector<256x128xf32>
    %mul3A = vector.broadcast %get3A_1 : vector<256x1xf32> to vector<256x128xf32>
    %mul3A_16 = arith.mulf %add3A_15, %mul3A : vector<256x128xf32>
    %get3A_17 = arith.constant 0 : index
    %get3A_18 = vector.load %arg4[%get3A_17] : memref<128xf32, #tpu.memory_space<vmem>>, vector<128xf32>
    %broadcast_in_dim3A = vector.shape_cast %get3A_18 : vector<128xf32> to vector<1x128xf32>
    %add3A_19 = vector.broadcast %broadcast_in_dim3A : vector<1x128xf32> to vector<256x128xf32>
    %add3A_20 = arith.addf %mul3A_16, %add3A_19 : vector<256x128xf32>
    %max3A = arith.constant 0.000000e+00 : f32
    %max3A_21 = vector.broadcast %max3A : f32 to vector<256x128xf32>
    %max3A_22 = arith.maximumf %add3A_20, %max3A_21 : vector<256x128xf32>
    %get3A_23 = arith.constant 0 : index
    %get3A_24 = arith.constant 0 : index
    %get3A_25 = vector.load %arg5[%get3A_23, %get3A_24] : memref<128x128xf32, #tpu.memory_space<vmem>>, vector<128x128xf32>
    %convert_element_type3A = arith.truncf %get3A_25 : vector<128x128xf32> to vector<128x128xbf16>
    %convert_element_type3A_26 = arith.extf %convert_element_type3A : vector<128x128xbf16> to vector<128x128xf32>
    %get3A_27 = arith.constant 0 : index
    %get3A_28 = arith.constant 0 : index
    %get3A_29 = vector.load %arg6[%get3A_27, %get3A_28] : memref<128x1xf32, #tpu.memory_space<vmem>>, vector<128x1xf32>
    %convert_element_type3A_30 = arith.truncf %get3A_29 : vector<128x1xf32> to vector<128x1xbf16>
    %convert_element_type3A_31 = arith.extf %convert_element_type3A_30 : vector<128x1xbf16> to vector<128x1xf32>
    %dot_general3A = arith.constant dense<0.000000e+00> : vector<128x1xf32>
    %dot_general3A_32 = tpu.matmul %convert_element_type3A_26, %convert_element_type3A_31, %dot_general3A {dimension_numbers = #tpu.dot_dimension_numbers<[1], [0], [0], [1], [0, 0, 1, 1], [], []>, precision = #tpu.contract_precision<fp32>, transpose_lhs_hint = false} : vector<128x128xf32>, vector<128x1xf32>, vector<128x1xf32> -> vector<128x1xf32>
    %convert_element_type3A_33 = arith.truncf %max3A_22 : vector<256x128xf32> to vector<256x128xbf16>
    %convert_element_type3A_34 = arith.extf %convert_element_type3A_33 : vector<256x128xbf16> to vector<256x128xf32>
    %dot_general3A_35 = arith.constant dense<0.000000e+00> : vector<256x1xf32>
    %dot_general3A_36 = tpu.matmul %convert_element_type3A_34, %dot_general3A_32, %dot_general3A_35 {dimension_numbers = #tpu.dot_dimension_numbers<[1], [0], [0], [1], [0, 0, 1, 1], [], []>, precision = #tpu.contract_precision<fp32>, transpose_lhs_hint = false} : vector<256x128xf32>, vector<128x1xf32>, vector<256x1xf32> -> vector<256x1xf32>
    %mul3A_37 = arith.mulf %dot_general3A_36, %get3A_1 : vector<256x1xf32>
    %iota3A = tpu.iota {dimensions = array<i32: 1>} : vector<256x16xi32>
    %eq3A = arith.constant 0 : i32
    %eq3A_38 = vector.broadcast %eq3A : i32 to vector<256x16xi32>
    %eq3A_39 = arith.cmpi eq, %iota3A, %eq3A_38 : vector<256x16xi32>
    %broadcast_in_dim3A_40 = vector.shape_cast %mul3A_37 : vector<256x1xf32> to vector<256x1xf32>
    %broadcast_in_dim3A_41 = vector.broadcast %broadcast_in_dim3A_40 : vector<256x1xf32> to vector<256x16xf32>
    %jit3A = arith.constant 0.000000e+00 : f32
    %broadcast_in_dim3A_42 = vector.broadcast %jit3A : f32 to vector<256x16xf32>
    %select_n3A = arith.select %eq3A_39, %broadcast_in_dim3A_41, %broadcast_in_dim3A_42 : vector<256x16xi1>, vector<256x16xf32>
    %swap3A = arith.constant 0 : index
    %swap3A_43 = arith.constant 0 : index
    %swap3A_44 = vector.load %arg7[%swap3A, %swap3A_43] : memref<256x16xf32, #tpu.memory_space<vmem>>, vector<256x16xf32>
    tpu.vector_store %arg7[%swap3A, %swap3A_43], %select_n3A {strides = array<i32>} : memref<256x16xf32, #tpu.memory_space<vmem>>, vector<256x16xf32>,
    return
  }
  func.func @transform_0(%arg0: i32) -> (i32, i32, i32) {
    %c0_i32 = arith.constant 0 : i32
    %c0_i32_0 = arith.constant 0 : i32
    %c0_i32_1 = arith.constant 0 : i32
    return %c0_i32, %arg0, %c0_i32_0 : i32, i32, i32
  }
  func.func @transform_1(%arg0: i32) -> (i32, i32) {
    %c0_i32 = arith.constant 0 : i32
    %c0_i32_0 = arith.constant 0 : i32
    return %arg0, %c0_i32 : i32, i32
  }
  func.func @transform_2(%arg0: i32) -> (i32, i32) {
    %c0_i32 = arith.constant 0 : i32
    %c0_i32_0 = arith.constant 0 : i32
    return %arg0, %c0_i32 : i32, i32
  }
  func.func @transform_3(%arg0: i32) -> i32 {
    %c0_i32 = arith.constant 0 : i32
    %c0_i32_0 = arith.constant 0 : i32
    return %c0_i32 : i32
  }
  func.func @transform_4(%arg0: i32) -> (i32, i32) {
    %c0_i32 = arith.constant 0 : i32
    %c0_i32_0 = arith.constant 0 : i32
    %c0_i32_1 = arith.constant 0 : i32
    return %c0_i32, %c0_i32_0 : i32, i32
  }
  func.func @transform_5(%arg0: i32) -> (i32, i32) {
    %c0_i32 = arith.constant 0 : i32
    %c0_i32_0 = arith.constant 0 : i32
    %c0_i32_1 = arith.constant 0 : i32
    return %c0_i32, %c0_i32_0 : i32, i32
  }
  func.func @transform_6(%arg0: i32) -> (i32, i32) {
    %c0_i32 = arith.constant 0 : i32
    %c0_i32_0 = arith.constant 0 : i32
    return %arg0, %c0_i32 : i32, i32
  }
}

module attributes {stable_mosaic.version = 14 : i64} {
  func.func @_f_body(%arg0: i32, %arg1: memref<256x16xf32, #tpu.memory_space<vmem>>, %arg2: memref<2x256x16xf32, #tpu.memory_space<vmem>>, %arg3: memref<256x1xf32, #tpu.memory_space<vmem>>, %arg4: memref<256x1xi32, #tpu.memory_space<vmem>>, %arg5: memref<128xf32, #tpu.memory_space<vmem>>, %arg6: memref<128x1xf32, #tpu.memory_space<vmem>>, %arg7: memref<1xf32, #tpu.memory_space<vmem>>, %arg8: memref<1x64xf32, #tpu.memory_space<vmem>>, %arg9: memref<1x64xf32, #tpu.memory_space<vmem>>, %arg10: memref<1x64xf32, #tpu.memory_space<vmem>>) attributes {dimension_semantics = [#tpu.dimension_semantics<arbitrary>], iteration_bounds = array<i64: 40>, scalar_prefetch = 0 : i64, scratch_operands = 2 : i64, tpu.core_type = #tpu.core_type<tc>, window_params = [{transform_indices = @transform_0, window_bounds = array<i64: 256, 16>}, {transform_indices = @transform_1, window_bounds = array<i64: 2, 256, 16>}, {transform_indices = @transform_2, window_bounds = array<i64: 256, 1>}, {transform_indices = @transform_3, window_bounds = array<i64: 256, 1>}, {pipeline_mode = #tpu.pipeline_mode<synchronous>, transform_indices = @transform_4, window_bounds = array<i64: 128>}, {pipeline_mode = #tpu.pipeline_mode<synchronous>, transform_indices = @transform_5, window_bounds = array<i64: 128, 1>}, {pipeline_mode = #tpu.pipeline_mode<synchronous>, transform_indices = @transform_6, window_bounds = array<i64: 1>}, {pipeline_mode = #tpu.pipeline_mode<synchronous>, transform_indices = @transform_7, window_bounds = array<i64: 1, 64>}]} {
    %get3A = arith.constant 0 : index
    %get3A_0 = vector.load %arg5[%get3A] : memref<128xf32, #tpu.memory_space<vmem>>, vector<128xf32>
    %broadcast_in_dim3A = vector.shape_cast %get3A_0 : vector<128xf32> to vector<1x128xf32>
    %get3A_1 = arith.constant 0 : index
    %get3A_2 = arith.constant 0 : index
    %get3A_3 = vector.load %arg6[%get3A_1, %get3A_2] : memref<128x1xf32, #tpu.memory_space<vmem>>, vector<128x1xf32>
    %dot_general3A = arith.constant dense<0.000000e+00> : vector<1x1xf32>
    %dot_general3A_4 = tpu.matmul %broadcast_in_dim3A, %get3A_3, %dot_general3A {dimension_numbers = #tpu.dot_dimension_numbers<[1], [0], [0], [1], [0, 0, 1, 1], [], []>, precision = #tpu.contract_precision<fp32>, transpose_lhs_hint = false} : vector<1x128xf32>, vector<128x1xf32>, vector<1x1xf32> -> vector<1x1xf32>
    %get3A_5 = arith.constant 0 : index
    %get3A_6 = arith.constant 0 : index
    %get3A_7 = arith.constant 0 : index
    %get3A_8 = vector.load %arg2[%get3A_5, %get3A_6, %get3A_7] : memref<2x256x16xf32, #tpu.memory_space<vmem>>, vector<1x256x16xf32>
    %get3A_9 = vector.shape_cast %get3A_8 : vector<1x256x16xf32> to vector<256x16xf32>
    %get3A_10 = arith.constant 1 : index
    %get3A_11 = arith.constant 0 : index
    %get3A_12 = arith.constant 0 : index
    %get3A_13 = vector.load %arg2[%get3A_10, %get3A_11, %get3A_12] : memref<2x256x16xf32, #tpu.memory_space<vmem>>, vector<1x256x16xf32>
    %get3A_14 = vector.shape_cast %get3A_13 : vector<1x256x16xf32> to vector<256x16xf32>
    %add3A = arith.addf %get3A_9, %get3A_14 : vector<256x16xf32>
    %reduce_sum3A = arith.constant dense<0.000000e+00> : vector<256xf32>
    %reduce_sum3A_15 = vector.multi_reduction <add>, %add3A, %reduce_sum3A [1] : vector<256x16xf32> to vector<256xf32>
    %broadcast_in_dim3A_16 = vector.shape_cast %reduce_sum3A_15 : vector<256xf32> to vector<256x1xf32>
    %get3A_17 = arith.constant 0 : index
    %get3A_18 = arith.constant 0 : index
    %get3A_19 = vector.load %arg1[%get3A_17, %get3A_18] : memref<256x16xf32, #tpu.memory_space<vmem>>, vector<256x16xf32>
    %reduce_sum3A_20 = arith.constant dense<0.000000e+00> : vector<256xf32>
    %reduce_sum3A_21 = vector.multi_reduction <add>, %get3A_19, %reduce_sum3A_20 [1] : vector<256x16xf32> to vector<256xf32>
    %broadcast_in_dim3A_22 = vector.shape_cast %reduce_sum3A_21 : vector<256xf32> to vector<256x1xf32>
    %get3A_23 = arith.constant 0 : index
    %get3A_24 = arith.constant 0 : index
    %get3A_25 = vector.load %arg3[%get3A_23, %get3A_24] : memref<256x1xf32, #tpu.memory_space<vmem>>, vector<256x1xf32>
    %add3A_26 = arith.addf %broadcast_in_dim3A_16, %broadcast_in_dim3A_22 : vector<256x1xf32>
    %mul3A = arith.mulf %get3A_25, %add3A_26 : vector<256x1xf32>
    %add3A_27 = vector.broadcast %dot_general3A_4 : vector<1x1xf32> to vector<256x1xf32>
    %add3A_28 = arith.addf %mul3A, %add3A_27 : vector<256x1xf32>
    %get3A_29 = arith.constant 0 : index
    %get3A_30 = arith.constant 0 : index
    %get3A_31 = vector.load %arg4[%get3A_29, %get3A_30] : memref<256x1xi32, #tpu.memory_space<vmem>>, vector<256x1xi32>
    %iota3A = tpu.iota {dimensions = array<i32: 1>} : vector<256x64xi32>
    %eq3A = vector.broadcast %get3A_31 : vector<256x1xi32> to vector<256x64xi32>
    %eq3A_32 = arith.cmpi eq, %eq3A, %iota3A : vector<256x64xi32>
    %convert_element_type3A = arith.extui %eq3A_32 : vector<256x64xi1> to vector<256x64xi32>
    %convert_element_type3A_33 = arith.sitofp %convert_element_type3A : vector<256x64xi32> to vector<256x64xf32>
    %mul3A_34 = vector.broadcast %add3A_28 : vector<256x1xf32> to vector<256x64xf32>
    %mul3A_35 = arith.mulf %convert_element_type3A_33, %mul3A_34 : vector<256x64xf32>
    %reduce_sum3A_36 = arith.constant dense<0.000000e+00> : vector<64xf32>
    %reduce_sum3A_37 = vector.multi_reduction <add>, %mul3A_35, %reduce_sum3A_36 [0] : vector<256x64xf32> to vector<64xf32>
    %broadcast_in_dim3A_38 = vector.shape_cast %reduce_sum3A_37 : vector<64xf32> to vector<1x64xf32>
    %reduce_sum3A_39 = arith.constant dense<0.000000e+00> : vector<64xf32>
    %reduce_sum3A_40 = vector.multi_reduction <add>, %convert_element_type3A_33, %reduce_sum3A_39 [0] : vector<256x64xf32> to vector<64xf32>
    %broadcast_in_dim3A_41 = vector.shape_cast %reduce_sum3A_40 : vector<64xf32> to vector<1x64xf32>
    %eq3A_42 = arith.constant 0 : i32
    %eq3A_43 = arith.cmpi eq, %arg0, %eq3A_42 : i32
    %convert_element_type3A_44 = arith.extui %eq3A_43 : i1 to i32
    %cond3A = arith.constant 0 : i32
    %cond3A_45 = arith.cmpi ne, %convert_element_type3A_44, %cond3A : i32
    scf.if %cond3A_45 {
      %swap3A = arith.constant 0 : index
      %swap3A_55 = arith.constant 0 : index
      %swap3A_56 = vector.load %arg9[%swap3A, %swap3A_55] : memref<1x64xf32, #tpu.memory_space<vmem>>, vector<1x64xf32>
      tpu.vector_store %arg9[%swap3A, %swap3A_55], %broadcast_in_dim3A_38 {strides = array<i32>} : memref<1x64xf32, #tpu.memory_space<vmem>>, vector<1x64xf32>,
      %swap3A_57 = arith.constant 0 : index
      %swap3A_58 = arith.constant 0 : index
      %swap3A_59 = vector.load %arg10[%swap3A_57, %swap3A_58] : memref<1x64xf32, #tpu.memory_space<vmem>>, vector<1x64xf32>
      tpu.vector_store %arg10[%swap3A_57, %swap3A_58], %broadcast_in_dim3A_41 {strides = array<i32>} : memref<1x64xf32, #tpu.memory_space<vmem>>, vector<1x64xf32>,
    } else {
    }
    %gt3A = arith.constant 0 : i32
    %gt3A_46 = arith.cmpi sgt, %arg0, %gt3A : i32
    %convert_element_type3A_47 = arith.extui %gt3A_46 : i1 to i32
    %cond3A_48 = arith.constant 0 : i32
    %cond3A_49 = arith.cmpi ne, %convert_element_type3A_47, %cond3A_48 : i32
    scf.if %cond3A_49 {
      %get3A_55 = arith.constant 0 : index
      %get3A_56 = arith.constant 0 : index
      %get3A_57 = vector.load %arg9[%get3A_55, %get3A_56] : memref<1x64xf32, #tpu.memory_space<vmem>>, vector<1x64xf32>
      %add3A_58 = arith.addf %get3A_57, %broadcast_in_dim3A_38 : vector<1x64xf32>
      %swap3A = arith.constant 0 : index
      %swap3A_59 = arith.constant 0 : index
      %swap3A_60 = vector.load %arg9[%swap3A, %swap3A_59] : memref<1x64xf32, #tpu.memory_space<vmem>>, vector<1x64xf32>
      tpu.vector_store %arg9[%swap3A, %swap3A_59], %add3A_58 {strides = array<i32>} : memref<1x64xf32, #tpu.memory_space<vmem>>, vector<1x64xf32>,
      %get3A_61 = arith.constant 0 : index
      %get3A_62 = arith.constant 0 : index
      %get3A_63 = vector.load %arg10[%get3A_61, %get3A_62] : memref<1x64xf32, #tpu.memory_space<vmem>>, vector<1x64xf32>
      %add3A_64 = arith.addf %get3A_63, %broadcast_in_dim3A_41 : vector<1x64xf32>
      %swap3A_65 = arith.constant 0 : index
      %swap3A_66 = arith.constant 0 : index
      %swap3A_67 = vector.load %arg10[%swap3A_65, %swap3A_66] : memref<1x64xf32, #tpu.memory_space<vmem>>, vector<1x64xf32>
      tpu.vector_store %arg10[%swap3A_65, %swap3A_66], %add3A_64 {strides = array<i32>} : memref<1x64xf32, #tpu.memory_space<vmem>>, vector<1x64xf32>,
    } else {
    }
    %eq3A_50 = arith.constant 39 : i32
    %eq3A_51 = arith.cmpi eq, %arg0, %eq3A_50 : i32
    %convert_element_type3A_52 = arith.extui %eq3A_51 : i1 to i32
    %cond3A_53 = arith.constant 0 : i32
    %cond3A_54 = arith.cmpi ne, %convert_element_type3A_52, %cond3A_53 : i32
    scf.if %cond3A_54 {
      %get3A_55 = arith.constant 0 : index
      %get3A_56 = arith.constant 0 : index
      %get3A_57 = vector.load %arg9[%get3A_55, %get3A_56] : memref<1x64xf32, #tpu.memory_space<vmem>>, vector<1x64xf32>
      %get3A_58 = arith.constant 0 : index
      %get3A_59 = arith.constant 0 : index
      %get3A_60 = vector.load %arg10[%get3A_58, %get3A_59] : memref<1x64xf32, #tpu.memory_space<vmem>>, vector<1x64xf32>
      %max3A = arith.constant 1.000000e+00 : f32
      %max3A_61 = vector.broadcast %max3A : f32 to vector<1x64xf32>
      %max3A_62 = arith.maximumf %get3A_60, %max3A_61 : vector<1x64xf32>
      %div3A = arith.divf %get3A_57, %max3A_62 : vector<1x64xf32>
      %get3A_63 = arith.constant 0 : index
      %get3A_64 = vector.load %arg7[%get3A_63] : memref<1xf32, #tpu.memory_space<vmem>>, vector<1xf32>
      %broadcast_in_dim3A_65 = vector.shape_cast %get3A_64 : vector<1xf32> to vector<1x1xf32>
      %add3A_66 = vector.broadcast %broadcast_in_dim3A_65 : vector<1x1xf32> to vector<1x64xf32>
      %add3A_67 = arith.addf %div3A, %add3A_66 : vector<1x64xf32>
      %swap3A = arith.constant 0 : index
      %swap3A_68 = arith.constant 0 : index
      %swap3A_69 = vector.load %arg8[%swap3A, %swap3A_68] : memref<1x64xf32, #tpu.memory_space<vmem>>, vector<1x64xf32>
      tpu.vector_store %arg8[%swap3A, %swap3A_68], %add3A_67 {strides = array<i32>} : memref<1x64xf32, #tpu.memory_space<vmem>>, vector<1x64xf32>,
    } else {
    }
    return
  }
  func.func @transform_0(%arg0: i32) -> (i32, i32) {
    %c0_i32 = arith.constant 0 : i32
    %c0_i32_0 = arith.constant 0 : i32
    return %arg0, %c0_i32 : i32, i32
  }
  func.func @transform_1(%arg0: i32) -> (i32, i32, i32) {
    %c0_i32 = arith.constant 0 : i32
    %c0_i32_0 = arith.constant 0 : i32
    %c0_i32_1 = arith.constant 0 : i32
    return %c0_i32, %arg0, %c0_i32_0 : i32, i32, i32
  }
  func.func @transform_2(%arg0: i32) -> (i32, i32) {
    %c0_i32 = arith.constant 0 : i32
    %c0_i32_0 = arith.constant 0 : i32
    return %arg0, %c0_i32 : i32, i32
  }
  func.func @transform_3(%arg0: i32) -> (i32, i32) {
    %c0_i32 = arith.constant 0 : i32
    %c0_i32_0 = arith.constant 0 : i32
    return %arg0, %c0_i32 : i32, i32
  }
  func.func @transform_4(%arg0: i32) -> i32 {
    %c0_i32 = arith.constant 0 : i32
    %c0_i32_0 = arith.constant 0 : i32
    return %c0_i32 : i32
  }
  func.func @transform_5(%arg0: i32) -> (i32, i32) {
    %c0_i32 = arith.constant 0 : i32
    %c0_i32_0 = arith.constant 0 : i32
    %c0_i32_1 = arith.constant 0 : i32
    return %c0_i32, %c0_i32_0 : i32, i32
  }
  func.func @transform_6(%arg0: i32) -> i32 {
    %c0_i32 = arith.constant 0 : i32
    %c0_i32_0 = arith.constant 0 : i32
    return %c0_i32 : i32
  }
  func.func @transform_7(%arg0: i32) -> (i32, i32) {
    %c0_i32 = arith.constant 0 : i32
    %c0_i32_0 = arith.constant 0 : i32
    %c0_i32_1 = arith.constant 0 : i32
    return %c0_i32, %c0_i32_0 : i32, i32
  }
}

</mosaic_0001>

<sc_bundles>
// kernel: kernel.12.cloned.1.call-start
scs
__scs_entry_jumppad:
0x0: {  	(pc) =	sbr.rel $0x88, $3  }
0x1: {  	(tag) =	ssettag $0x0;
	lr =	simm.s32 $0x1  }
0x2: {  	[smem:$0x3F98] =	sst lr;
	_ =	strace $0xD0000000  }
0x3: {  	_ = 	snop  }
0x4: {  	_ = 	snop  }
0x5: {  	_ = 	snop  }
0x6: {  	_ = 	snop  }
0x7: {  	_ = 	snop  }
__scs_overlays_trampoline_lowered:
0x8: {  	[smem:$0x3FA7] =	sst s0  }
0x9: {  	[smem:$0x3FA8] =	sst s1  }
0xa: {  	[smem:$0x3FA9] =	sst s2  }
0xb: {  	[smem:$0x3FAA] =	sst s3  }
0xc: {  	[smem:$0x3FAB] =	sst s4  }
0xd: {  	[smem:$0x3FAC] =	sst s5  }
0xe: {  	[smem:$0x3FAD] =	sst s6  }
0xf: {  	[smem:$0x3FAE] =	sst s7  }
0x10: {  	[smem:$0x3FAF] =	sst s8  }
0x11: {  	[smem:$0x3FB0] =	sst s9;
	s0 =	simm.s32 @!p0 $0x0  }
0x12: {  	s1 =	sld [smem:$0x3F96];
	s0 =	simm.s32 @p0 $0x1  }
0x13: {  	[smem:$0x3FB1] =	sst s0;
	s0 =	simm.s32 @!p1 $0x0  }
0x14: {  	s2 =	sld [smem:$0x3F95];
	s0 =	simm.s32 @p1 $0x1  }
0x15: {  	[smem:$0x3FB2] =	sst s0;
	s0 =	simm.s32 @!p2 $0x0  }
0x16: {  	s3 =	sld [smem:$0x3FDB];
	s0 =	simm.s32 @p2 $0x1  }
0x17: {  	s4 =	simm.s32 $0x1BF5;
	[smem:$0x3FB4] =	sst s0  }
0x18: {  	s0 =	sld [smem:$0x3F97];
	_ =	swait.ge [sflag:s4], $0x0  }
0x19: {  	s7 =	sld [smem:$0x3F98]  }
0x1a: {  	s8 =	sadd.s32 $0xFFFFE003, lr  }
0x1b: {  	s9 =	sadd.s32 $0xFFFFFEF7, lr;
	s5 =	simm.s32 $0xFFFFFFFF;
	p2 =	slt.u32 s8, $0xFFFFF086  }
0x1c: {  	p1 =	slt.u32 s9, $0xF7A;
	s5 =	simm.s32 @!p2 $0x0  }
0x1d: {  	s5 =	simm.s32 @p1 $0x1;
	p0 =	seq.s32 s7, s2  }
0x1e: {  	s7 =	smul.u32 @!p0 $0xF7A, s2;
	p2 =	seq.s32 @!p0 s5, $0x0  }
0x1f: {  	s9 =	smul.u32 $0xF7A, s1;
	s8 =	simm.s32 @!p0 $0x1BF5;
	p2 =	por !p2, p0  }
0x20: {  	[sflag:s8] =	ssyncset.s32 @!p0 $0xFFFFF086;
	s6 =	sadd.s32 @!p0 s3, s7;
	s7 =	simm.s32 @!p0 $0x108  }
0x21: {  	s3 =	sadd.s32 s3, s9;
	s6 =	sadd.s32 @!p0 $0x88, s6;
	s7 =	simm.s32 @p2 $0x1082  }
0x22: {  	[simem:s7], [sflag:s8] =	dma.local @!p0 [hbm:s6], $0xF7A  }
0x23: {  	s9 =	sor.u32 $0xD0000000, s2;
	s6 =	simm.s32 $0x108;
	_ =	swait.ge @!p0 [sflag:s8], $0x0  }
0x24: {  	s3 =	sadd.s32 $0x88, s3;
	s6 =	simm.s32 @!p1 $0x1082;
	[sflag:s4] =	ssyncset.s32 $0xFFFFF086  }
0x25: {  	[simem:s6], [sflag:s4] =	dma.local [hbm:s3], $0xF7A  }
0x26: {  	[smem:$0x3F98] =	sst s1;
	(tag) =	ssettag s2;
	_ =	strace s9  }
0x27: {  	s1 =	sld [smem:$0x3FA8]  }
0x28: {  	s2 =	sld [smem:$0x3FA9]  }
0x29: {  	s4 =	sld [smem:$0x3FAB]  }
0x2a: {  	p0 =	seq.s32 s5, $0x0;
	s5 =	sld [smem:$0x3FAC]  }
0x2b: {  	s6 =	sld [smem:$0x3FAD]  }
0x2c: {  	s7 =	sld [smem:$0x3FAE]  }
0x2d: {  	s3 =	simm.s32 $0x108;
	s8 =	sld [smem:$0x3FAF]  }
0x2e: {  	s3 =	simm.s32 @!p0 $0x1082;
	s9 =	sld [smem:$0x3FB0]  }
0x2f: {  	lr =	sadd.s32 s0, s3;
	s0 =	sld [smem:$0x3FA7]  }
0x30: {  	s3 =	sld [smem:$0x3FAA]  }
0x31: {  	[smem:$0x3FB3] =	sst s10  }
0x32: {  	s10 =	sld [smem:$0x3FB1];
	_ =	sdelay $0x3  }
0x33: {  	p0 =	seq.s32 s10, $0x1;
	s10 =	sld [smem:$0x3FB3];
	_ =	sdelay $0x3  }
0x34: {  	[smem:$0x3FB3] =	sst s10  }
0x35: {  	s10 =	sld [smem:$0x3FB2];
	_ =	sdelay $0x3  }
0x36: {  	p1 =	seq.s32 s10, $0x1;
	s10 =	sld [smem:$0x3FB3];
	_ =	sdelay $0x3  }
0x37: {  	[smem:$0x3FB3] =	sst s10  }
0x38: {  	s10 =	sld [smem:$0x3FB4]  }
0x39: {  	_ = 	snop;
	(pc) =	sbr.ind lr, $3  }
0x3a: {  	_ = 	snop  }
0x3b: {  	_ = 	snop  }
0x3c: {  	p2 =	seq.s32 s10, $0x1;
	s10 =	sld [smem:$0x3FB3]  }
0x3d: {  	_ =	shalt  }
0x3e: {  	_ =	shalt  }
0x3f: {  	_ =	shalt  }
0x40: {  	_ =	shalt  }
0x41: {  	_ =	shalt  }
0x42: {  	_ =	shalt  }
0x43: {  	_ =	shalt  }
0x44: {  	_ =	shalt  }
0x45: {  	_ =	shalt  }
0x46: {  	_ =	shalt  }
0x47: {  	_ =	shalt  }
0x48: {  	_ =	shalt  }
0x49: {  	_ =	shalt  }
0x4a: {  	_ =	shalt  }
0x4b: {  	_ =	shalt  }
0x4c: {  	_ =	shalt  }
0x4d: {  	_ =	shalt  }
0x4e: {  	_ =	shalt  }
0x4f: {  	_ =	shalt  }
0x50: {  	_ =	shalt  }
0x51: {  	_ =	shalt  }
0x52: {  	_ =	shalt  }
0x53: {  	_ =	shalt  }
0x54: {  	_ =	shalt  }
0x55: {  	_ =	shalt  }
0x56: {  	_ =	shalt  }
0x57: {  	_ =	shalt  }
0x58: {  	_ =	shalt  }
0x59: {  	_ =	shalt  }
0x5a: {  	_ =	shalt  }
0x5b: {  	_ =	shalt  }
0x5c: {  	_ =	shalt  }
0x5d: {  	_ =	shalt  }
0x5e: {  	_ =	shalt  }
0x5f: {  	_ =	shalt  }
0x60: {  	_ =	shalt  }
0x61: {  	_ =	shalt  }
0x62: {  	_ =	shalt  }
0x63: {  	_ =	shalt  }
0x64: {  	_ =	shalt  }
0x65: {  	_ =	shalt  }
0x66: {  	_ =	shalt  }
0x67: {  	_ =	shalt  }
0x68: {  	_ =	shalt  }
0x69: {  	_ =	shalt  }
0x6a: {  	_ =	shalt  }
0x6b: {  	_ =	shalt  }
0x6c: {  	_ =	shalt  }
0x6d: {  	_ =	shalt  }
0x6e: {  	_ =	shalt  }
0x6f: {  	_ =	shalt  }
0x70: {  	_ =	shalt  }
0x71: {  	_ =	shalt  }
0x72: {  	_ =	shalt  }
0x73: {  	_ =	shalt  }
0x74: {  	_ =	shalt  }
0x75: {  	_ =	shalt  }
0x76: {  	_ =	shalt  }
0x77: {  	_ =	shalt  }
0x78: {  	_ =	shalt  }
0x79: {  	_ =	shalt  }
0x7a: {  	_ =	shalt  }
0x7b: {  	_ =	shalt  }
0x7c: {  	_ =	shalt  }
0x7d: {  	_ =	shalt  }
0x7e: {  	_ =	shalt  }
0x7f: {  	_ =	shalt  }
0x80: {  	_ =	shalt  }
0x81: {  	_ =	shalt  }
0x82: {  	_ =	shalt  }
0x83: {  	_ =	shalt  }
0x84: {  	_ =	shalt  }
0x85: {  	_ =	shalt  }
0x86: {  	_ =	shalt  }
0x87: {  	_ =	shalt  }
.Lfunc_end0:
.L_simem_size_0:
called_computation.1_lowered:
.L_overlay_start_0:
0x88: {  	s2 =	sld [smem:$0x3FD9]  }
0x89: {  	s3 =	sld [smem:$0x3FFE];
	_ =	sdelay $0x1  }
0x8a: {  	s1 =	srdreg.scid  }
0x8b: {  	s0 =	sand.u32 $0x1, s1  }
0x8c: {  	s16 =	sshll.u32 s0, $0xA;
	s2 =	sadd.s32 s3, s2  }
0x8d: {  	s2 =	sadd.s32 s2, s16  }
0x8e: {  	[smem:$0x3FBF] =	sst s2  }
0x8f: {  	_ = 	snop  }
0x90: {  	(tm) =	ssettm $0x1  }
0x91: {  	s17 =	sld [smem:$0x3FFB];
	_ =	sdelay $0x3  }
0x92: {  	_ =	strace s17  }
0x93: {  	s2 =	sld [smem:$0x3FFC];
	_ =	sdelay $0x3  }
0x94: {  	_ =	strace s2  }
0x95: {  	s2 =	sld [smem:$0x3FFD];
	_ =	sdelay $0x3  }
0x96: {  	_ =	strace s2  }
0x97: {  	_ =	strace $0x8FFFFFFF  }
0x98: {  	s18 =	sld [smem:$0x3FDB];
	_ =	sdelay $0x1  }
0x99: {  	s19 =	simm.s32 $_scs_section_size  }
0x9a: {  	s4 =	simm.s32 $_size__tile_overlayer_lowered;
	s5 =	simm.s32 $_tile_overlayer_lowered  }
0x9b: {  	s22 =	simm.s32 $0x1BFF;
	s21 =	sshll.u32 s5, $0x1;
	s2 =	sadd.s32 s19, s18  }
0x9c: {  	s6 =	simm.s32 $0x0;
	s20 =	sshll.u32 s4, $0x1;
	s4 =	sadd.s32 s21, s2  }
0x9d: {  	[timem:s6], [sflag:s22] =	dma.local [hbm:s4], s20  }
0x9e: {  	_ =	swait.ge [sflag:s22], s20  }
0x9f: {  	s3 =	ssub.s32 $0x0, s20;
	[sflag:s22] =	ssyncset.done $0x0  }
0xa0: {  	[sflag:s22] =	ssyncadd.s32 s3;
	_ =	sdelay $0x1  }
0xa1: {  	s23 =	simm.s32 $0x1B8B  }
0xa2: {  	_ =	swait.ge [sflag:s23], $0x1  }
0xa3: {  	[sflag:s23] =	ssyncset.done $0x0  }
0xa4: {  	s25 =	simm.s32 $0x1B8E;
	s24 =	sld [smem:$0x3FFE];
	[sflag:s23] =	ssyncadd.s32 $0xFFFFFFFF  }
0xa5: {  	s26 =	simm.s32 $execute0_lowered;
	[smem:$0x3FD2] =	sst s25  }
0xa6: {  	s4 =	sshll.u32 s26, $0x1;
	_ =	strace $0x80000049;
	[dreg:$0x1] =	wrdreg $0xFFFFFFFF  }
0xa7: {  	s28 =	simm.s32 $_size_execute0_lowered;
	s2 =	sadd.s32 s2, s4;
	[dreg:$0x0] =	wrdreg $0x0  }
0xa8: {  	s4 =	sshll.u32 s28, $0x1;
	[dreg:$0x2] =	wrdreg s2  }
0xa9: {  	[dreg:$0x3] =	wrdreg s4  }
0xaa: {  	[dreg:$0x4] =	wrdreg $0xC0  }
0xab: {  	_ =	task [dreg:s6], $0x5FFFF  }
0xac: {  	[dreg:$0x1] =	wrdreg $0xFFFFFFFF  }
0xad: {  	[dreg:$0x0] =	wrdreg $0x60  }
0xae: {  	[dreg:$0x2] =	wrdreg s24  }
0xaf: {  	[dreg:$0x3] =	wrdreg $0xA9000  }
0xb0: {  	[dreg:$0x4] =	wrdreg $0x9  }
0xb1: {  	_ =	task.clear_ibuf [dreg:s6], $0x5FFFF;
	_ =	strace $0x90000049  }
0xb2: {  	s29 =	simm.s32 $0x9;
	_ =	strace $0x8000004B  }
0xb3: {  	_ =	swait.ge [sflag:s29], $0x1  }
0xb4: {  	[sflag:s29] =	ssyncadd.s32 $0xFFFFFFFF  }
0xb5: {  	_ =	strace $0x9000004B  }
0xb6: {  	_ =	sfence  }
0xb7: {  	s30 =	sld [smem:$0x0];
	_ =	sdelay $0x2  }
0xb8: {  	s31 =	sshll.u32 s1, $0xD;
	s1 =	sshrl.u32 s1, $0x2  }
0xb9: {  	s3 =	sand.u32 $0x4000, s31;
	s1 =	sadd.s32 s1, s30  }
0xba: {  	s0 =	sor.u32 s3, s0;
	s1 =	sshll.u32 s1, $0x11  }
0xbb: {  	s0 =	sor.u32 s1, s0  }
0xbc: {  	s0 =	sadd.s32 $0x8F2B, s0  }
0xbd: {  	[sflag:s0] =	ssyncadd.remote.s32 $0x1  }
0xbe: {  	_ =	sfence.sel $0xFFFF  }
0xbf: {  	[dreg:$0x0] =	wrdreg $0xFFFFFFFF;
	(pc) =	sbr.abs _section_cstart, $3  }
0xc0: {  	[dreg:$0x1] =	wrdreg $0xFFFFFFFF  }
0xc1: {  	_ =	task.clear_ibuf [dreg:s6], $0x2FFFF;
	_ =	strace $0x9FFFFFFF  }
0xc2: {  	(tm) =	ssettm $0x7FFFFFFF  }
0xc3: {  	_ =	shalt  }
tec
execute0_lowered:
.L_overlay_start_1:
0x0: {  	(tag) =	ssettag $0x1  }
0x1: {  	s1 =	srdreg.scid;
	s5 =	rddreg [dreg:$0x0]  }
0x2: {  	s0 =	stileid.u32;
	s2 =	rddreg [dreg:$0x1];
	s3 =	simm.s32 $0x0  }
0x3: {  	s18 =	simm.s32 $0x80;
	s19 =	simm.s32 $0x6900;
	s20 =	simm.s32 $0x2880  }
0x4: {  	s28 =	simm.s32 $0x0;
	s6 =	sand.u32 $0x1, s1;
	s7 =	smul.u32 $0x14000, s0  }
0x5: {  	s21 =	sshll.u32 s0, $0x1;
	[smem:$0x7FF] =	sst s3;
	s12 =	smul.u32 $0x50000, s0  }
0x6: {  	s13 =	sadd.s32 $0xCA00, s5;
	s15 =	smul.u32 $0x5000, s0;
	s26 =	sshll.u32 s0, $0x6  }
0x7: {  	s4 =	sor.u32 s6, s21;
	_ =	strace $0x8000004A;
	s9 =	smul.u32 $0x140000, s6  }
0x8: {  	s22 =	ssub.s32 $0x2, s6;
	s25 =	smul.u32 $0x2800, s6;
	s6 =	sor.u32 $0x1C05, s26  }
0x9: {  	s21 =	simm.s32 $0x1;
	s26 =	simm.s32 $0x2780;
	s4 =	smul.u32 $0x2800, s4  }
0xa: {  	s11 =	sshrl.u32 s7, $0x3;
	s23 =	sshrl.u32 s22, $0x1;
	s24 =	sshrl.u32 s12, $0x2  }
0xb: {  	s11 =	sadd.s32 s11, s5;
	s7 =	sadd.s32 s7, s9;
	s16 =	ssub.s32 s22, s23  }
0xc: {  	s17 =	sadd.s32 s24, s2;
	s29 =	sadd.s32 s25, s15;
	s15 =	simm.s32 $0x5  }
0xd: {  	s22 =	simm.s32 $0x3;
	s23 =	simm.s32 $0x6;
	s24 =	simm.s32 $0x2  }
0xe: {  	s25 =	simm.s32 $0x4;
	s8 =	sshrl.u32 s4, $0x3;
	s4 =	sadd.s32 $0x1BA00, s5  }
0xf: {  	s7 =	sshrl.u32 s7, $0x3;
	s30 =	sor.u32 $0x80, s29;
	s31 =	sor.u32 $0x100, s29  }
0x10: {  	s10 =	sadd.s32 s8, s5;
	s14 =	sadd.s32 s7, s5;
	s5 =	sadd.s32 $0x43A00, s11  }
0x11: {  	s8 =	sadd.s32 s13, s8;
	s12 =	sshrl.u32 s30, $0x3;
	s7 =	sadd.s32 $0x2A00, s10  }
0x12: {  	s9 =	sadd.s32 $0x6BA00, s14;
	s10 =	smax.u32 s16, $0x1;
	s11 =	sadd.s32 $0x4F0, s8  }
0x13: {  	s12 =	sadd.s32 s12, s13;
	s14 =	sshrl.u32 s31, $0x3;
	s16 =	simm.s32 $0x2900  }
0x14: {  	s13 =	sadd.s32 s14, s13;
	s14 =	sshrl.u32 s17, $0x3;
	s17 =	simm.s32 $0x2800  }
.LBB2_1:
0x15: {  	[spmem:s14], [sflag:s6] =	dma.local [hbm:s5], $0x2800  }
0x16: {  	_ =	swait.ge [sflag:s15], $0x2800  }
0x17: {  	[sflag:s15] =	ssyncset.done $0x0  }
0x18: {  	[sflag:s15] =	ssyncadd.s32 $0xFFFFD800  }
0x19: {  	[tilespmem:s3], [sflag:$0x5] =	stream.linear.gather [hbm4b:s7+s3], $0x2800, $0x38;
	[tilespmem:$0x1E900] =	vst v63  }
0x1a: {  	_ =	swait.ge [sflag:s15], $0x2800  }
0x1b: {  	[sflag:s15] =	ssyncset.done $0x0  }
0x1c: {  	[sflag:s15] =	ssyncadd.s32 $0xFFFFD800  }
0x1d: {  	[bflag:$0x0] =	sbarrier.arrive $0xFFFF  }
0x1e: {  	[tilespmem:s16], [sflag:$0x1] =	stream.indirect.gather [hbm4b:s4+s18], $0x80, s3, s18, $0xb8;
	[tilespmem:$0x1E900] =	vst v63  }
0x1f: {  	_ = 	snop  }
0x20: {  	[tilespmem:s17], [sflag:$0x3] =	stream.linear.gather [hbm4b:s8+s3], $0x80, $0x38;
	[tilespmem:$0x1E900] =	vst v63  }
0x21: {  	_ = 	snop  }
0x22: {  	[tilespmem:s19], [sflag:$0x2] =	stream.indirect.gather [hbm4b:s4+s18], $0x80, s18, s18, $0xb8;
	[tilespmem:$0x1E900] =	vst v63  }
0x23: {  	s29 =	sadd.s32 $0x0, s12  }
0x24: {  	[tilespmem:s20], [sflag:$0x4] =	stream.linear.gather [hbm4b:s29+s3], $0x80, $0x38;
	[tilespmem:$0x1E900] =	vst v63  }
0x25: {  	_ =	swait.ge [sflag:s21], $0x4000  }
0x26: {  	[sflag:s21] =	ssyncset.done $0x0  }
0x27: {  	[sflag:s21] =	ssyncadd.s32 $0xFFFFC000  }
0x28: {  	_ =	swait.ge [sflag:s22], $0x80  }
0x29: {  	[sflag:s22] =	ssyncset.done $0x0  }
0x2a: {  	[sflag:s22] =	ssyncadd.s32 $0xFFFFFF80  }
0x2b: {  	[spmem:s2] =	stream.indirect.scatter.add.f32 [tilespmem:s16], [sflag:$0x6], $0x80, s17, s18, $0xb8;
	[tilespmem:$0x1E900] =	vst v63  }
0x2c: {  	_ =	swait.ge [sflag:s23], $0x4000  }
0x2d: {  	[sflag:s23] =	ssyncset.done $0x0  }
0x2e: {  	s29 =	simm.s32 $0x100;
	[sflag:s23] =	ssyncadd.s32 $0xFFFFC000  }
0x2f: {  	[tilespmem:s16], [sflag:$0x1] =	stream.indirect.gather [hbm4b:s4+s18], $0x80, s29, s18, $0xb8;
	[tilespmem:$0x1E900] =	vst v63  }
0x30: {  	s29 =	sadd.s32 $0x0, s13  }
0x31: {  	[tilespmem:s17], [sflag:$0x3] =	stream.linear.gather [hbm4b:s29+s3], $0x80, $0x38;
	[tilespmem:$0x1E900] =	vst v63  }
0x32: {  	_ =	swait.ge [sflag:s24], $0x4000  }
0x33: {  	[sflag:s24] =	ssyncset.done $0x0  }
0x34: {  	[sflag:s24] =	ssyncadd.s32 $0xFFFFC000  }
0x35: {  	_ =	swait.ge [sflag:s25], $0x80  }
0x36: {  	[sflag:s25] =	ssyncset.done $0x0  }
0x37: {  	[sflag:s25] =	ssyncadd.s32 $0xFFFFFF80  }
0x38: {  	[spmem:s2] =	stream.indirect.scatter.add.f32 [tilespmem:s19], [sflag:$0x5], $0x80, s20, s18, $0xb8;
	[tilespmem:$0x1E900] =	vst v63  }
0x39: {  	_ =	swait.ge [sflag:s15], $0x4000  }
0x3a: {  	s30 =	simm.s32 $0x80;
	s29 =	simm.s32 $0x20;
	[sflag:s15] =	ssyncset.done $0x0  }
.LBB2_2:
0x3b: {  	p0 =	sne.s32 s29, $0x4C0;
	[sflag:s15] =	ssyncadd.s32 $0xFFFFC000;
	s30 =	sadd.s32 $0x100, s30  }
0x3c: {  	[tilespmem:s19], [sflag:$0x2] =	stream.indirect.gather [hbm4b:s4+s18], $0x80, s30, s18, $0xb8;
	[tilespmem:$0x1E900] =	vst v63  }
0x3d: {  	s31 =	sadd.s32 s29, s12;
	s1 =	smov.u32 s29;
	s29 =	sadd.s32 $0x20, s29  }
0x3e: {  	[tilespmem:s20], [sflag:$0x4] =	stream.linear.gather [hbm4b:s31+s3], $0x80, $0x38;
	[tilespmem:$0x1E900] =	vst v63  }
0x3f: {  	_ =	swait.ge [sflag:s21], $0x4000  }
0x40: {  	[sflag:s21] =	ssyncset.done $0x0  }
0x41: {  	[sflag:s21] =	ssyncadd.s32 $0xFFFFC000  }
0x42: {  	_ =	swait.ge [sflag:s22], $0x80  }
0x43: {  	[sflag:s22] =	ssyncset.done $0x0  }
0x44: {  	[sflag:s22] =	ssyncadd.s32 $0xFFFFFF80  }
0x45: {  	[spmem:s2] =	stream.indirect.scatter.add.f32 [tilespmem:s16], [sflag:$0x6], $0x80, s17, s18, $0xb8;
	[tilespmem:$0x1E900] =	vst v63  }
0x46: {  	_ =	swait.ge [sflag:s23], $0x4000  }
0x47: {  	[sflag:s23] =	ssyncset.done $0x0  }
0x48: {  	s31 =	sadd.s32 $0x80, s30;
	[sflag:s23] =	ssyncadd.s32 $0xFFFFC000  }
0x49: {  	[tilespmem:s16], [sflag:$0x1] =	stream.indirect.gather [hbm4b:s4+s18], $0x80, s31, s18, $0xb8;
	[tilespmem:$0x1E900] =	vst v63  }
0x4a: {  	s1 =	sadd.s32 s1, s13  }
0x4b: {  	[tilespmem:s17], [sflag:$0x3] =	stream.linear.gather [hbm4b:s1+s3], $0x80, $0x38;
	[tilespmem:$0x1E900] =	vst v63  }
0x4c: {  	_ =	swait.ge [sflag:s24], $0x4000  }
0x4d: {  	[sflag:s24] =	ssyncset.done $0x0  }
0x4e: {  	[sflag:s24] =	ssyncadd.s32 $0xFFFFC000  }
0x4f: {  	_ =	swait.ge [sflag:s25], $0x80  }
.Ltmp0:
0x50: {  	[sflag:s25] =	ssyncset.done $0x0;
	(pc) =	sbr.rel @p0 .LBB2_2-.Ltmp0, $4  }
0x51: {  	[sflag:s25] =	ssyncadd.s32 $0xFFFFFF80  }
0x52: {  	[spmem:s2] =	stream.indirect.scatter.add.f32 [tilespmem:s19], [sflag:$0x5], $0x80, s20, s18, $0xb8;
	[tilespmem:$0x1E900] =	vst v63  }
0x53: {  	_ =	swait.ge [sflag:s15], $0x4000  }
0x54: {  	[sflag:s15] =	ssyncset.done $0x0  }
0x55: {  	[sflag:s15] =	ssyncadd.s32 $0xFFFFC000  }
0x56: {  	[tilespmem:s19], [sflag:$0x2] =	stream.indirect.gather [hbm4b:s4+s18], $0x80, s26, s18, $0xb8;
	[tilespmem:$0x1E900] =	vst v63  }
0x57: {  	_ = 	snop  }
0x58: {  	[tilespmem:s20], [sflag:$0x4] =	stream.linear.gather [hbm4b:s11+s3], $0x80, $0x38;
	[tilespmem:$0x1E900] =	vst v63  }
0x59: {  	_ =	swait.ge [sflag:s21], $0x4000  }
0x5a: {  	[sflag:s21] =	ssyncset.done $0x0  }
0x5b: {  	[sflag:s21] =	ssyncadd.s32 $0xFFFFC000  }
0x5c: {  	_ =	swait.ge [sflag:s22], $0x80  }
0x5d: {  	[sflag:s22] =	ssyncset.done $0x0  }
0x5e: {  	[sflag:s22] =	ssyncadd.s32 $0xFFFFFF80  }
0x5f: {  	[spmem:s2] =	stream.indirect.scatter.add.f32 [tilespmem:s16], [sflag:$0x6], $0x80, s17, s18, $0xb8;
	[tilespmem:$0x1E900] =	vst v63  }
0x60: {  	_ =	swait.ge [sflag:s23], $0x4000  }
0x61: {  	[sflag:s23] =	ssyncset.done $0x0  }
0x62: {  	[sflag:s23] =	ssyncadd.s32 $0xFFFFC000  }
0x63: {  	_ =	swait.ge [sflag:s24], $0x4000  }
0x64: {  	[sflag:s24] =	ssyncset.done $0x0  }
0x65: {  	[sflag:s24] =	ssyncadd.s32 $0xFFFFC000  }
0x66: {  	_ =	swait.ge [sflag:s25], $0x80  }
0x67: {  	[sflag:s25] =	ssyncset.done $0x0  }
0x68: {  	[sflag:s25] =	ssyncadd.s32 $0xFFFFFF80  }
0x69: {  	[spmem:s2] =	stream.indirect.scatter.add.f32 [tilespmem:s19], [sflag:$0x5], $0x80, s20, s18, $0xb8;
	[tilespmem:$0x1E900] =	vst v63  }
0x6a: {  	_ =	swait.ge [sflag:s15], $0x4000  }
0x6b: {  	s28 =	sadd.s32 $0x1, s28;
	[sflag:s15] =	ssyncset.done $0x0  }
0x6c: {  	p0 =	sne.s32 s28, s10;
	[sflag:s15] =	ssyncadd.s32 $0xFFFFC000  }
.Ltmp1:
0x6d: {  	[bflag:$0x0] =	sbarrier.arrive $0xFFFF;
	(pc) =	sbr.rel @p0 .LBB2_1-.Ltmp1, $4  }
0x6e: {  	[hbm:s9], [sflag:s6] =	dma.local [spmem:s14], $0x2800  }
0x6f: {  	_ =	swait.ge [sflag:s15], $0x2800  }
0x70: {  	[sflag:s15] =	ssyncset.done $0x0  }
0x71: {  	[sflag:s15] =	ssyncadd.s32 $0xFFFFD800  }
0x72: {  	_ =	sfence.sel $0x180000  }
0x73: {  	[bflag:$0x0] =	sbarrier.arrive $0xFFFF  }
0x74: {  	_ =	strace $0x9000004A  }
0x75: {  	[bflag:$0x2] =	sbarrier.arrive $0xFFFF  }
0x76: {  	p0 =	sne.s32 s0, $0x0;
	s0 =	rddreg [dreg:$0x2]  }
0x77: {  	s0 =	sadd.s32 @!p0 $0x100000, s0  }
0x78: {  	[sflag:s0] =	ssyncadd.tile.s32 @!p0 $0x1;
	_ =	shalt  }
.Lfunc_end2:
_tile_overlayer_lowered:
.L_overlay_start_2:
0x79: {  	(tag) =	ssettag $0x2  }
0x7a: {  	s0 =	rddreg [dreg:$0x0];
	s2 =	stileid.u32  }
0x7b: {  	s1 =	rddreg [dreg:$0x1];
	p0 =	sne.s32 s2, $0x0  }
0x7c: {  	s3 =	rddreg [dreg:$0x2];
	[bflag:$0x3] =	sbarrier.arrive $0xFFFF;
	s2 =	simm.s32 @!p0 $0x1C05  }
0x7d: {  	[timem:s3], [sflag:s2] =	dma.local @!p0 [hbm:s0], s1  }
0x7e: {  	s0 =	simm.s32 @!p0 $0x5  }
0x7f: {  	_ =	swait.ge @!p0 [sflag:s0], s1  }
0x80: {  	s1 =	ssub.s32 @!p0 $0x0, s1;
	[sflag:s0] =	ssyncset.done @!p0 $0x0  }
0x81: {  	[sflag:s0] =	ssyncadd.s32 @!p0 s1  }
0x82: {  	[bflag:$0x3] =	sbarrier.arrive $0xFFFF  }
0x83: {  	_ =	shalt  }

// kernel: kernel.15.cloned.1.call-start
scs
__scs_entry_jumppad:
0x0: {  	(pc) =	sbr.rel $0x88, $3  }
0x1: {  	(tag) =	ssettag $0x0;
	lr =	simm.s32 $0x1  }
0x2: {  	[smem:$0x3F98] =	sst lr;
	_ =	strace $0xD0000000  }
0x3: {  	_ = 	snop  }
0x4: {  	_ = 	snop  }
0x5: {  	_ = 	snop  }
0x6: {  	_ = 	snop  }
0x7: {  	_ = 	snop  }
__scs_overlays_trampoline_lowered:
0x8: {  	[smem:$0x3FA7] =	sst s0  }
0x9: {  	[smem:$0x3FA8] =	sst s1  }
0xa: {  	[smem:$0x3FA9] =	sst s2  }
0xb: {  	[smem:$0x3FAA] =	sst s3  }
0xc: {  	[smem:$0x3FAB] =	sst s4  }
0xd: {  	[smem:$0x3FAC] =	sst s5  }
0xe: {  	[smem:$0x3FAD] =	sst s6  }
0xf: {  	[smem:$0x3FAE] =	sst s7  }
0x10: {  	[smem:$0x3FAF] =	sst s8  }
0x11: {  	[smem:$0x3FB0] =	sst s9;
	s0 =	simm.s32 @!p0 $0x0  }
0x12: {  	s1 =	sld [smem:$0x3F96];
	s0 =	simm.s32 @p0 $0x1  }
0x13: {  	[smem:$0x3FB1] =	sst s0;
	s0 =	simm.s32 @!p1 $0x0  }
0x14: {  	s2 =	sld [smem:$0x3F95];
	s0 =	simm.s32 @p1 $0x1  }
0x15: {  	[smem:$0x3FB2] =	sst s0;
	s0 =	simm.s32 @!p2 $0x0  }
0x16: {  	s3 =	sld [smem:$0x3FDB];
	s0 =	simm.s32 @p2 $0x1  }
0x17: {  	s4 =	simm.s32 $0x1BF5;
	[smem:$0x3FB4] =	sst s0  }
0x18: {  	s0 =	sld [smem:$0x3F97];
	_ =	swait.ge [sflag:s4], $0x0  }
0x19: {  	s7 =	sld [smem:$0x3F98]  }
0x1a: {  	s8 =	sadd.s32 $0xFFFFE003, lr  }
0x1b: {  	s9 =	sadd.s32 $0xFFFFFEF7, lr;
	s5 =	simm.s32 $0xFFFFFFFF;
	p2 =	slt.u32 s8, $0xFFFFF086  }
0x1c: {  	p1 =	slt.u32 s9, $0xF7A;
	s5 =	simm.s32 @!p2 $0x0  }
0x1d: {  	s5 =	simm.s32 @p1 $0x1;
	p0 =	seq.s32 s7, s2  }
0x1e: {  	s7 =	smul.u32 @!p0 $0xF7A, s2;
	p2 =	seq.s32 @!p0 s5, $0x0  }
0x1f: {  	s9 =	smul.u32 $0xF7A, s1;
	s8 =	simm.s32 @!p0 $0x1BF5;
	p2 =	por !p2, p0  }
0x20: {  	[sflag:s8] =	ssyncset.s32 @!p0 $0xFFFFF086;
	s6 =	sadd.s32 @!p0 s3, s7;
	s7 =	simm.s32 @!p0 $0x108  }
0x21: {  	s3 =	sadd.s32 s3, s9;
	s6 =	sadd.s32 @!p0 $0x88, s6;
	s7 =	simm.s32 @p2 $0x1082  }
0x22: {  	[simem:s7], [sflag:s8] =	dma.local @!p0 [hbm:s6], $0xF7A  }
0x23: {  	s9 =	sor.u32 $0xD0000000, s2;
	s6 =	simm.s32 $0x108;
	_ =	swait.ge @!p0 [sflag:s8], $0x0  }
0x24: {  	s3 =	sadd.s32 $0x88, s3;
	s6 =	simm.s32 @!p1 $0x1082;
	[sflag:s4] =	ssyncset.s32 $0xFFFFF086  }
0x25: {  	[simem:s6], [sflag:s4] =	dma.local [hbm:s3], $0xF7A  }
0x26: {  	[smem:$0x3F98] =	sst s1;
	(tag) =	ssettag s2;
	_ =	strace s9  }
0x27: {  	s1 =	sld [smem:$0x3FA8]  }
0x28: {  	s2 =	sld [smem:$0x3FA9]  }
0x29: {  	s4 =	sld [smem:$0x3FAB]  }
0x2a: {  	p0 =	seq.s32 s5, $0x0;
	s5 =	sld [smem:$0x3FAC]  }
0x2b: {  	s6 =	sld [smem:$0x3FAD]  }
0x2c: {  	s7 =	sld [smem:$0x3FAE]  }
0x2d: {  	s3 =	simm.s32 $0x108;
	s8 =	sld [smem:$0x3FAF]  }
0x2e: {  	s3 =	simm.s32 @!p0 $0x1082;
	s9 =	sld [smem:$0x3FB0]  }
0x2f: {  	lr =	sadd.s32 s0, s3;
	s0 =	sld [smem:$0x3FA7]  }
0x30: {  	s3 =	sld [smem:$0x3FAA]  }
0x31: {  	[smem:$0x3FB3] =	sst s10  }
0x32: {  	s10 =	sld [smem:$0x3FB1];
	_ =	sdelay $0x3  }
0x33: {  	p0 =	seq.s32 s10, $0x1;
	s10 =	sld [smem:$0x3FB3];
	_ =	sdelay $0x3  }
0x34: {  	[smem:$0x3FB3] =	sst s10  }
0x35: {  	s10 =	sld [smem:$0x3FB2];
	_ =	sdelay $0x3  }
0x36: {  	p1 =	seq.s32 s10, $0x1;
	s10 =	sld [smem:$0x3FB3];
	_ =	sdelay $0x3  }
0x37: {  	[smem:$0x3FB3] =	sst s10  }
0x38: {  	s10 =	sld [smem:$0x3FB4]  }
0x39: {  	_ = 	snop;
	(pc) =	sbr.ind lr, $3  }
0x3a: {  	_ = 	snop  }
0x3b: {  	_ = 	snop  }
0x3c: {  	p2 =	seq.s32 s10, $0x1;
	s10 =	sld [smem:$0x3FB3]  }
0x3d: {  	_ =	shalt  }
0x3e: {  	_ =	shalt  }
0x3f: {  	_ =	shalt  }
0x40: {  	_ =	shalt  }
0x41: {  	_ =	shalt  }
0x42: {  	_ =	shalt  }
0x43: {  	_ =	shalt  }
0x44: {  	_ =	shalt  }
0x45: {  	_ =	shalt  }
0x46: {  	_ =	shalt  }
0x47: {  	_ =	shalt  }
0x48: {  	_ =	shalt  }
0x49: {  	_ =	shalt  }
0x4a: {  	_ =	shalt  }
0x4b: {  	_ =	shalt  }
0x4c: {  	_ =	shalt  }
0x4d: {  	_ =	shalt  }
0x4e: {  	_ =	shalt  }
0x4f: {  	_ =	shalt  }
0x50: {  	_ =	shalt  }
0x51: {  	_ =	shalt  }
0x52: {  	_ =	shalt  }
0x53: {  	_ =	shalt  }
0x54: {  	_ =	shalt  }
0x55: {  	_ =	shalt  }
0x56: {  	_ =	shalt  }
0x57: {  	_ =	shalt  }
0x58: {  	_ =	shalt  }
0x59: {  	_ =	shalt  }
0x5a: {  	_ =	shalt  }
0x5b: {  	_ =	shalt  }
0x5c: {  	_ =	shalt  }
0x5d: {  	_ =	shalt  }
0x5e: {  	_ =	shalt  }
0x5f: {  	_ =	shalt  }
0x60: {  	_ =	shalt  }
0x61: {  	_ =	shalt  }
0x62: {  	_ =	shalt  }
0x63: {  	_ =	shalt  }
0x64: {  	_ =	shalt  }
0x65: {  	_ =	shalt  }
0x66: {  	_ =	shalt  }
0x67: {  	_ =	shalt  }
0x68: {  	_ =	shalt  }
0x69: {  	_ =	shalt  }
0x6a: {  	_ =	shalt  }
0x6b: {  	_ =	shalt  }
0x6c: {  	_ =	shalt  }
0x6d: {  	_ =	shalt  }
0x6e: {  	_ =	shalt  }
0x6f: {  	_ =	shalt  }
0x70: {  	_ =	shalt  }
0x71: {  	_ =	shalt  }
0x72: {  	_ =	shalt  }
0x73: {  	_ =	shalt  }
0x74: {  	_ =	shalt  }
0x75: {  	_ =	shalt  }
0x76: {  	_ =	shalt  }
0x77: {  	_ =	shalt  }
0x78: {  	_ =	shalt  }
0x79: {  	_ =	shalt  }
0x7a: {  	_ =	shalt  }
0x7b: {  	_ =	shalt  }
0x7c: {  	_ =	shalt  }
0x7d: {  	_ =	shalt  }
0x7e: {  	_ =	shalt  }
0x7f: {  	_ =	shalt  }
0x80: {  	_ =	shalt  }
0x81: {  	_ =	shalt  }
0x82: {  	_ =	shalt  }
0x83: {  	_ =	shalt  }
0x84: {  	_ =	shalt  }
0x85: {  	_ =	shalt  }
0x86: {  	_ =	shalt  }
0x87: {  	_ =	shalt  }
.Lfunc_end0:
.L_simem_size_0:
called_computation.2_lowered:
.L_overlay_start_0:
0x88: {  	s2 =	sld [smem:$0x3FD9]  }
0x89: {  	s3 =	sld [smem:$0x3FFE];
	_ =	sdelay $0x1  }
0x8a: {  	s1 =	srdreg.scid  }
0x8b: {  	s0 =	sand.u32 $0x1, s1  }
0x8c: {  	s16 =	sshll.u32 s0, $0xA;
	s2 =	sadd.s32 s3, s2  }
0x8d: {  	s2 =	sadd.s32 s2, s16  }
0x8e: {  	[smem:$0x3FBF] =	sst s2  }
0x8f: {  	_ = 	snop  }
0x90: {  	(tm) =	ssettm $0x1  }
0x91: {  	s17 =	sld [smem:$0x3FFB];
	_ =	sdelay $0x3  }
0x92: {  	_ =	strace s17  }
0x93: {  	s2 =	sld [smem:$0x3FFC];
	_ =	sdelay $0x3  }
0x94: {  	_ =	strace s2  }
0x95: {  	s2 =	sld [smem:$0x3FFD];
	_ =	sdelay $0x3  }
0x96: {  	_ =	strace s2  }
0x97: {  	_ =	strace $0x8FFFFFFF  }
0x98: {  	s18 =	sld [smem:$0x3FDB];
	_ =	sdelay $0x1  }
0x99: {  	s19 =	simm.s32 $_scs_section_size  }
0x9a: {  	s4 =	simm.s32 $_size__tile_overlayer_lowered;
	s5 =	simm.s32 $_tile_overlayer_lowered  }
0x9b: {  	s22 =	simm.s32 $0x1BFF;
	s21 =	sshll.u32 s5, $0x1;
	s2 =	sadd.s32 s19, s18  }
0x9c: {  	s6 =	simm.s32 $0x0;
	s20 =	sshll.u32 s4, $0x1;
	s4 =	sadd.s32 s21, s2  }
0x9d: {  	[timem:s6], [sflag:s22] =	dma.local [hbm:s4], s20  }
0x9e: {  	_ =	swait.ge [sflag:s22], s20  }
0x9f: {  	s3 =	ssub.s32 $0x0, s20;
	[sflag:s22] =	ssyncset.done $0x0  }
0xa0: {  	[sflag:s22] =	ssyncadd.s32 s3;
	_ =	sdelay $0x1  }
0xa1: {  	s23 =	simm.s32 $0x1B8B  }
0xa2: {  	_ =	swait.ge [sflag:s23], $0x1  }
0xa3: {  	[sflag:s23] =	ssyncset.done $0x0  }
0xa4: {  	s25 =	simm.s32 $0x1B8E;
	s24 =	sld [smem:$0x3FFE];
	[sflag:s23] =	ssyncadd.s32 $0xFFFFFFFF  }
0xa5: {  	s26 =	simm.s32 $execute0_lowered;
	[smem:$0x3FD2] =	sst s25  }
0xa6: {  	s4 =	sshll.u32 s26, $0x1;
	_ =	strace $0x8000004C;
	[dreg:$0x1] =	wrdreg $0xFFFFFFFF  }
0xa7: {  	s28 =	simm.s32 $_size_execute0_lowered;
	s2 =	sadd.s32 s2, s4;
	[dreg:$0x0] =	wrdreg $0x0  }
0xa8: {  	s4 =	sshll.u32 s28, $0x1;
	[dreg:$0x2] =	wrdreg s2  }
0xa9: {  	[dreg:$0x3] =	wrdreg s4  }
0xaa: {  	[dreg:$0x4] =	wrdreg $0xC0  }
0xab: {  	_ =	task [dreg:s6], $0x5FFFF  }
0xac: {  	[dreg:$0x1] =	wrdreg $0xFFFFFFFF  }
0xad: {  	[dreg:$0x0] =	wrdreg $0x60  }
0xae: {  	[dreg:$0x2] =	wrdreg s24  }
0xaf: {  	[dreg:$0x3] =	wrdreg $0xD8000  }
0xb0: {  	[dreg:$0x4] =	wrdreg $0xB0000  }
0xb1: {  	[dreg:$0x5] =	wrdreg $0x9  }
0xb2: {  	_ =	task.clear_ibuf [dreg:s6], $0x6FFFF;
	_ =	strace $0x9000004C  }
0xb3: {  	s29 =	simm.s32 $0x9;
	_ =	strace $0x8000004E  }
0xb4: {  	_ =	swait.ge [sflag:s29], $0x1  }
0xb5: {  	[sflag:s29] =	ssyncadd.s32 $0xFFFFFFFF  }
0xb6: {  	_ =	strace $0x9000004E  }
0xb7: {  	_ =	sfence  }
0xb8: {  	s30 =	sld [smem:$0x0];
	_ =	sdelay $0x2  }
0xb9: {  	s31 =	sshll.u32 s1, $0xD;
	s1 =	sshrl.u32 s1, $0x2  }
0xba: {  	s3 =	sand.u32 $0x4000, s31;
	s1 =	sadd.s32 s1, s30  }
0xbb: {  	s0 =	sor.u32 s3, s0;
	s1 =	sshll.u32 s1, $0x11  }
0xbc: {  	s0 =	sor.u32 s1, s0  }
0xbd: {  	s0 =	sadd.s32 $0x8F2B, s0  }
0xbe: {  	[sflag:s0] =	ssyncadd.remote.s32 $0x1  }
0xbf: {  	_ =	sfence.sel $0xFFFF  }
0xc0: {  	[dreg:$0x0] =	wrdreg $0xFFFFFFFF;
	(pc) =	sbr.abs _section_cstart, $3  }
0xc1: {  	[dreg:$0x1] =	wrdreg $0xFFFFFFFF  }
0xc2: {  	_ =	task.clear_ibuf [dreg:s6], $0x2FFFF;
	_ =	strace $0x9FFFFFFF  }
0xc3: {  	(tm) =	ssettm $0x7FFFFFFF  }
tec
execute0_lowered:
.L_overlay_start_1:
0x0: {  	(tag) =	ssettag $0x1  }
0x1: {  	s0 =	rddreg [dreg:$0x0];
	s10 =	stileid.u32  }
0x2: {  	s1 =	srdreg.scid;
	s2 =	rddreg [dreg:$0x1]  }
0x3: {  	s3 =	rddreg [dreg:$0x2];
	s11 =	simm.s32 $0x3000;
	s30 =	simm.s32 $0x800  }
0x4: {  	s29 =	simm.s32 $0xC00;
	p0 =	por $0x0, $0x0;
	s28 =	simm.s32 $0x1000  }
0x5: {  	s1 =	sand.u32 $0x1, s1;
	s4 =	sshll.u32 s10, $0x1;
	s6 =	smul.u32 $0x2800, s10  }
0x6: {  	s21 =	sshll.u32 s10, $0x6;
	s10 =	simm.s32 $0x2C00;
	s5 =	sor.u32 s1, s4  }
0x7: {  	s4 =	simm.s32 $0x0;
	s7 =	smul.u32 $0x28000, s1;
	s1 =	ssub.s32 $0x2, s1  }
0x8: {  	s5 =	smul.u32 $0x2800, s5;
	[smem:$0x7FF] =	sst s4;
	s8 =	sshrl.u32 s6, $0x3  }
0x9: {  	s16 =	sshrl.u32 s1, $0x1;
	s18 =	sadd.s32 s6, s2;
	s24 =	sadd.s32 s6, s3  }
0xa: {  	_ =	strace $0x8000004D;
	s8 =	sadd.s32 s8, s0;
	s7 =	sadd.s32 s6, s7  }
0xb: {  	s1 =	ssub.s32 s1, s16;
	s6 =	simm.s32 $0x5;
	s31 =	sshrl.u32 s24, $0x3  }
0xc: {  	s16 =	simm.s32 $0x6;
	s24 =	simm.s32 $0x1C00;
	s5 =	sshrl.u32 s5, $0x3  }
0xd: {  	s12 =	sshrl.u32 s7, $0x3;
	s13 =	sadd.s32 $0x16A00, s8;
	s14 =	sadd.s32 $0x1BA00, s8  }
0xe: {  	s1 =	smax.u32 s1, $0x1;
	s7 =	sshrl.u32 s18, $0x3;
	s8 =	simm.s32 $0x400  }
0xf: {  	s18 =	simm.s32 $0x1;
	s9 =	sadd.s32 s5, s0;
	[dreg:$0x4] =	wrdreg s13  }
0x10: {  	s0 =	sadd.s32 s12, s0;
	[dreg:$0x5] =	wrdreg s14;
	s15 =	sadd.s32 $0x2A00, s9  }
0x11: {  	s5 =	sor.u32 $0x1C05, s21;
	s17 =	sadd.s32 $0xCA00, s9;
	[dreg:$0x6] =	wrdreg s15  }
0x12: {  	s13 =	simm.s32 $0x2800;
	s0 =	sadd.s32 $0x20A00, s0;
	[dreg:$0x7] =	wrdreg s17  }
0x13: {  	s12 =	simm.s32 $0x4;
	s20 =	sadd.s32 $0xCA80, s9;
	[dreg:$0x8] =	wrdreg s0  }
0x14: {  	p1 =	sne.s32 s1, $0x1;
	s22 =	sadd.s32 $0xCB00, s9;
	[dreg:$0x9] =	wrdreg s20  }
0x15: {  	s1 =	sadd.s32 $0xFFFFFFFF, s1;
	s23 =	sadd.s32 $0xCB80, s9;
	[dreg:$0xa] =	wrdreg s22  }
0x16: {  	s21 =	simm.s32 $0x2400;
	s25 =	sadd.s32 $0xCC00, s9;
	[dreg:$0xb] =	wrdreg s23  }
.Ltmp0:
0x17: {  	s26 =	sadd.s32 $0xCC80, s9;
	[dreg:$0xc] =	wrdreg s25;
	(pc) =	sbr.rel @!p1 .LBB2_3-.Ltmp0, $4  }
0x18: {  	s19 =	sadd.s32 $0xCE00, s9;
	s14 =	sadd.s32 $0xCE80, s9;
	[dreg:$0xd] =	wrdreg s26  }
0x19: {  	s22 =	sadd.s32 $0xCD00, s9;
	s20 =	sadd.s32 $0xCD80, s9;
	s9 =	simm.s32 $0x7000  }
0x1a: {  	s17 =	simm.s32 $0x3;
	s15 =	simm.s32 $0x2;
	s26 =	simm.s32 $0x1400  }
0x1b: {  	s25 =	simm.s32 $0x1800;
	s23 =	simm.s32 $0x2000;
	s0 =	rddreg [dreg:$0x4]  }
0x1c: {  	[spmem:s7], [sflag:s5] =	dma.local [hbm:s0], $0x500  }
0x1d: {  	_ =	swait.ge [sflag:s6], $0x500  }
0x1e: {  	[sflag:s6] =	ssyncset.done $0x0  }
0x1f: {  	s0 =	rddreg [dreg:$0x5];
	[sflag:s6] =	ssyncadd.s32 $0xFFFFFB00  }
0x20: {  	[spmem:s31], [sflag:s5] =	dma.local [hbm:s0], $0x500  }
0x21: {  	_ =	swait.ge [sflag:s6], $0x500  }
0x22: {  	[sflag:s6] =	ssyncset.done $0x0  }
0x23: {  	s0 =	rddreg [dreg:$0x6];
	[sflag:s6] =	ssyncadd.s32 $0xFFFFFB00  }
0x24: {  	[tilespmem:s4], [sflag:$0x5] =	stream.linear.gather [hbm4b:s0+s4], $0x2800, $0x38;
	[tilespmem:$0x10000] =	vst v63  }
0x25: {  	_ =	swait.ge [sflag:s6], $0x2800  }
0x26: {  	[sflag:s6] =	ssyncset.done $0x0  }
0x27: {  	[sflag:s6] =	ssyncadd.s32 $0xFFFFD800  }
0x28: {  	[bflag:$0x0] =	sbarrier.arrive $0xFFFF  }
0x29: {  	[tilespmem:s11], [sflag:$0x1] =	stream.indirect.gather [spmem:s3], $0x10, s4, s8, $0xb8;
	[tilespmem:$0x10000] =	vst v63  }
0x2a: {  	s0 =	rddreg [dreg:$0x7]  }
0x2b: {  	[tilespmem:s13], [sflag:$0x3] =	stream.linear.gather [hbm4b:s0+s4], $0x400, $0x38;
	[tilespmem:$0x10000] =	vst v63  }
0x2c: {  	_ = 	snop  }
0x2d: {  	[tilespmem:s9], [sflag:$0x2] =	stream.indirect.gather [spmem:s3], $0x10, s8, s8, $0xb8;
	[tilespmem:$0x10000] =	vst v63  }
0x2e: {  	s0 =	rddreg [dreg:$0x9]  }
0x2f: {  	[tilespmem:s10], [sflag:$0x4] =	stream.linear.gather [hbm4b:s0+s4], $0x400, $0x38;
	[tilespmem:$0x10000] =	vst v63  }
0x30: {  	_ =	swait.ge [sflag:s18], $0x4000  }
0x31: {  	[sflag:s18] =	ssyncset.done $0x0  }
0x32: {  	[sflag:s18] =	ssyncadd.s32 $0xFFFFC000  }
0x33: {  	_ =	swait.ge [sflag:s17], $0x400  }
0x34: {  	[sflag:s17] =	ssyncset.done $0x0  }
0x35: {  	[sflag:s17] =	ssyncadd.s32 $0xFFFFFC00  }
0x36: {  	[spmem:s2] =	stream.indirect.scatter.add.f32 [tilespmem:s11], [sflag:$0x6], $0x10, s13, s8, $0xb8;
	[tilespmem:$0x10000] =	vst v63  }
0x37: {  	_ =	swait.ge [sflag:s16], $0x4000  }
0x38: {  	[sflag:s16] =	ssyncset.done $0x0  }
0x39: {  	[sflag:s16] =	ssyncadd.s32 $0xFFFFC000  }
0x3a: {  	[tilespmem:s11], [sflag:$0x1] =	stream.indirect.gather [spmem:s3], $0x10, s30, s8, $0xb8;
	[tilespmem:$0x10000] =	vst v63  }
0x3b: {  	s0 =	rddreg [dreg:$0xa]  }
0x3c: {  	[tilespmem:s13], [sflag:$0x3] =	stream.linear.gather [hbm4b:s0+s4], $0x400, $0x38;
	[tilespmem:$0x10000] =	vst v63  }
0x3d: {  	_ =	swait.ge [sflag:s15], $0x4000  }
0x3e: {  	[sflag:s15] =	ssyncset.done $0x0  }
0x3f: {  	[sflag:s15] =	ssyncadd.s32 $0xFFFFC000  }
0x40: {  	_ =	swait.ge [sflag:s12], $0x400  }
0x41: {  	[sflag:s12] =	ssyncset.done $0x0  }
0x42: {  	[sflag:s12] =	ssyncadd.s32 $0xFFFFFC00  }
0x43: {  	[spmem:s2] =	stream.indirect.scatter.add.f32 [tilespmem:s9], [sflag:$0x5], $0x10, s10, s8, $0xb8;
	[tilespmem:$0x10000] =	vst v63  }
0x44: {  	_ =	swait.ge [sflag:s6], $0x4000  }
0x45: {  	[sflag:s6] =	ssyncset.done $0x0  }
0x46: {  	[sflag:s6] =	ssyncadd.s32 $0xFFFFC000  }
0x47: {  	[tilespmem:s9], [sflag:$0x2] =	stream.indirect.gather [spmem:s3], $0x10, s29, s8, $0xb8;
	[tilespmem:$0x10000] =	vst v63  }
0x48: {  	s0 =	rddreg [dreg:$0xb]  }
0x49: {  	[tilespmem:s10], [sflag:$0x4] =	stream.linear.gather [hbm4b:s0+s4], $0x400, $0x38;
	[tilespmem:$0x10000] =	vst v63  }
0x4a: {  	_ =	swait.ge [sflag:s18], $0x4000  }
0x4b: {  	[sflag:s18] =	ssyncset.done $0x0  }
0x4c: {  	[sflag:s18] =	ssyncadd.s32 $0xFFFFC000  }
0x4d: {  	_ =	swait.ge [sflag:s17], $0x400  }
0x4e: {  	[sflag:s17] =	ssyncset.done $0x0  }
0x4f: {  	[sflag:s17] =	ssyncadd.s32 $0xFFFFFC00  }
0x50: {  	[spmem:s2] =	stream.indirect.scatter.add.f32 [tilespmem:s11], [sflag:$0x6], $0x10, s13, s8, $0xb8;
	[tilespmem:$0x10000] =	vst v63  }
0x51: {  	_ =	swait.ge [sflag:s16], $0x4000  }
0x52: {  	[sflag:s16] =	ssyncset.done $0x0  }
0x53: {  	[sflag:s16] =	ssyncadd.s32 $0xFFFFC000  }
0x54: {  	[tilespmem:s11], [sflag:$0x1] =	stream.indirect.gather [spmem:s3], $0x10, s28, s8, $0xb8;
	[tilespmem:$0x10000] =	vst v63  }
0x55: {  	s0 =	rddreg [dreg:$0xc]  }
0x56: {  	[tilespmem:s13], [sflag:$0x3] =	stream.linear.gather [hbm4b:s0+s4], $0x400, $0x38;
	[tilespmem:$0x10000] =	vst v63  }
0x57: {  	_ =	swait.ge [sflag:s15], $0x4000  }
0x58: {  	[sflag:s15] =	ssyncset.done $0x0  }
0x59: {  	[sflag:s15] =	ssyncadd.s32 $0xFFFFC000  }
0x5a: {  	_ =	swait.ge [sflag:s12], $0x400  }
0x5b: {  	[sflag:s12] =	ssyncset.done $0x0  }
0x5c: {  	[sflag:s12] =	ssyncadd.s32 $0xFFFFFC00  }
0x5d: {  	[spmem:s2] =	stream.indirect.scatter.add.f32 [tilespmem:s9], [sflag:$0x5], $0x10, s10, s8, $0xb8;
	[tilespmem:$0x10000] =	vst v63  }
0x5e: {  	_ =	swait.ge [sflag:s6], $0x4000  }
0x5f: {  	[sflag:s6] =	ssyncset.done $0x0  }
0x60: {  	[sflag:s6] =	ssyncadd.s32 $0xFFFFC000  }
0x61: {  	[tilespmem:s9], [sflag:$0x2] =	stream.indirect.gather [spmem:s3], $0x10, s26, s8, $0xb8;
	[tilespmem:$0x10000] =	vst v63  }
0x62: {  	s0 =	rddreg [dreg:$0xd]  }
0x63: {  	[tilespmem:s10], [sflag:$0x4] =	stream.linear.gather [hbm4b:s0+s4], $0x400, $0x38;
	[tilespmem:$0x10000] =	vst v63  }
0x64: {  	_ =	swait.ge [sflag:s18], $0x4000  }
0x65: {  	[sflag:s18] =	ssyncset.done $0x0  }
0x66: {  	[sflag:s18] =	ssyncadd.s32 $0xFFFFC000  }
0x67: {  	_ =	swait.ge [sflag:s17], $0x400  }
0x68: {  	[sflag:s17] =	ssyncset.done $0x0  }
0x69: {  	[sflag:s17] =	ssyncadd.s32 $0xFFFFFC00  }
0x6a: {  	[spmem:s2] =	stream.indirect.scatter.add.f32 [tilespmem:s11], [sflag:$0x6], $0x10, s13, s8, $0xb8;
	[tilespmem:$0x10000] =	vst v63  }
0x6b: {  	_ =	swait.ge [sflag:s16], $0x4000  }
0x6c: {  	[sflag:s16] =	ssyncset.done $0x0  }
0x6d: {  	[sflag:s16] =	ssyncadd.s32 $0xFFFFC000  }
0x6e: {  	[tilespmem:s11], [sflag:$0x1] =	stream.indirect.gather [spmem:s3], $0x10, s25, s8, $0xb8;
	[tilespmem:$0x10000] =	vst v63  }
0x6f: {  	_ = 	snop  }
0x70: {  	[tilespmem:s13], [sflag:$0x3] =	stream.linear.gather [hbm4b:s22+s4], $0x400, $0x38;
	[tilespmem:$0x10000] =	vst v63  }
0x71: {  	_ =	swait.ge [sflag:s15], $0x4000  }
0x72: {  	[sflag:s15] =	ssyncset.done $0x0  }
0x73: {  	[sflag:s15] =	ssyncadd.s32 $0xFFFFC000  }
0x74: {  	_ =	swait.ge [sflag:s12], $0x400  }
0x75: {  	[sflag:s12] =	ssyncset.done $0x0  }
0x76: {  	[sflag:s12] =	ssyncadd.s32 $0xFFFFFC00  }
0x77: {  	[spmem:s2] =	stream.indirect.scatter.add.f32 [tilespmem:s9], [sflag:$0x5], $0x10, s10, s8, $0xb8;
	[tilespmem:$0x10000] =	vst v63  }
0x78: {  	_ =	swait.ge [sflag:s6], $0x4000  }
0x79: {  	[sflag:s6] =	ssyncset.done $0x0  }
0x7a: {  	[sflag:s6] =	ssyncadd.s32 $0xFFFFC000  }
0x7b: {  	[tilespmem:s9], [sflag:$0x2] =	stream.indirect.gather [spmem:s3], $0x10, s24, s8, $0xb8;
	[tilespmem:$0x10000] =	vst v63  }
0x7c: {  	_ = 	snop  }
0x7d: {  	[tilespmem:s10], [sflag:$0x4] =	stream.linear.gather [hbm4b:s20+s4], $0x400, $0x38;
	[tilespmem:$0x10000] =	vst v63  }
0x7e: {  	_ =	swait.ge [sflag:s18], $0x4000  }
0x7f: {  	[sflag:s18] =	ssyncset.done $0x0  }
0x80: {  	[sflag:s18] =	ssyncadd.s32 $0xFFFFC000  }
0x81: {  	_ =	swait.ge [sflag:s17], $0x400  }
0x82: {  	[sflag:s17] =	ssyncset.done $0x0  }
0x83: {  	[sflag:s17] =	ssyncadd.s32 $0xFFFFFC00  }
0x84: {  	[spmem:s2] =	stream.indirect.scatter.add.f32 [tilespmem:s11], [sflag:$0x6], $0x10, s13, s8, $0xb8;
	[tilespmem:$0x10000] =	vst v63  }
0x85: {  	_ =	swait.ge [sflag:s16], $0x4000  }
0x86: {  	[sflag:s16] =	ssyncset.done $0x0  }
0x87: {  	[sflag:s16] =	ssyncadd.s32 $0xFFFFC000  }
0x88: {  	[tilespmem:s11], [sflag:$0x1] =	stream.indirect.gather [spmem:s3], $0x10, s23, s8, $0xb8;
	[tilespmem:$0x10000] =	vst v63  }
0x89: {  	_ = 	snop  }
0x8a: {  	[tilespmem:s13], [sflag:$0x3] =	stream.linear.gather [hbm4b:s19+s4], $0x400, $0x38;
	[tilespmem:$0x10000] =	vst v63  }
0x8b: {  	_ =	swait.ge [sflag:s15], $0x4000  }
0x8c: {  	[sflag:s15] =	ssyncset.done $0x0  }
0x8d: {  	[sflag:s15] =	ssyncadd.s32 $0xFFFFC000  }
0x8e: {  	_ =	swait.ge [sflag:s12], $0x400  }
0x8f: {  	[sflag:s12] =	ssyncset.done $0x0  }
0x90: {  	[sflag:s12] =	ssyncadd.s32 $0xFFFFFC00  }
0x91: {  	[spmem:s2] =	stream.indirect.scatter.add.f32 [tilespmem:s9], [sflag:$0x5], $0x10, s10, s8, $0xb8;
	[tilespmem:$0x10000] =	vst v63  }
0x92: {  	_ =	swait.ge [sflag:s6], $0x4000  }
0x93: {  	[sflag:s6] =	ssyncset.done $0x0  }
0x94: {  	[sflag:s6] =	ssyncadd.s32 $0xFFFFC000  }
0x95: {  	[tilespmem:s9], [sflag:$0x2] =	stream.indirect.gather [spmem:s3], $0x10, s21, s8, $0xb8;
	[tilespmem:$0x10000] =	vst v63  }
0x96: {  	_ = 	snop  }
0x97: {  	[tilespmem:s10], [sflag:$0x4] =	stream.linear.gather [hbm4b:s14+s4], $0x400, $0x38;
	[tilespmem:$0x10000] =	vst v63  }
0x98: {  	_ =	swait.ge [sflag:s18], $0x4000  }
0x99: {  	[sflag:s18] =	ssyncset.done $0x0  }
0x9a: {  	[sflag:s18] =	ssyncadd.s32 $0xFFFFC000  }
0x9b: {  	_ =	swait.ge [sflag:s17], $0x400  }
0x9c: {  	[sflag:s17] =	ssyncset.done $0x0  }
0x9d: {  	[sflag:s17] =	ssyncadd.s32 $0xFFFFFC00  }
0x9e: {  	[spmem:s2] =	stream.indirect.scatter.add.f32 [tilespmem:s11], [sflag:$0x6], $0x10, s13, s8, $0xb8;
	[tilespmem:$0x10000] =	vst v63  }
0x9f: {  	_ =	swait.ge [sflag:s16], $0x4000  }
0xa0: {  	[sflag:s16] =	ssyncset.done $0x0  }
0xa1: {  	[sflag:s16] =	ssyncadd.s32 $0xFFFFC000  }
0xa2: {  	_ =	swait.ge [sflag:s15], $0x4000  }
0xa3: {  	[sflag:s15] =	ssyncset.done $0x0  }
0xa4: {  	[sflag:s15] =	ssyncadd.s32 $0xFFFFC000  }
0xa5: {  	_ =	swait.ge [sflag:s12], $0x400  }
0xa6: {  	[sflag:s12] =	ssyncset.done $0x0  }
0xa7: {  	[sflag:s12] =	ssyncadd.s32 $0xFFFFFC00  }
0xa8: {  	[spmem:s2] =	stream.indirect.scatter.add.f32 [tilespmem:s9], [sflag:$0x5], $0x10, s10, s8, $0xb8;
	[tilespmem:$0x10000] =	vst v63  }
0xa9: {  	_ =	swait.ge [sflag:s6], $0x4000  }
0xaa: {  	[sflag:s6] =	ssyncset.done $0x0  }
0xab: {  	p1 =	sne.s32 s1, $0x1;
	[sflag:s6] =	ssyncadd.s32 $0xFFFFC000  }
.Ltmp1:
0xac: {  	[bflag:$0x0] =	sbarrier.arrive $0xFFFF;
	(pc) =	sbr.rel @!p1 .LBB2_3-.Ltmp1, $4  }
0xad: {  	s0 =	rddreg [dreg:$0x8]  }
0xae: {  	[hbm:s0], [sflag:s5] =	dma.local [spmem:s7], $0x500  }
0xaf: {  	s1 =	sadd.s32 $0xFFFFFFFF, s1;
	_ =	swait.ge [sflag:s6], $0x500  }
0xb0: {  	p0 =	por $0x1, $0x1;
	s0 =	rddreg [dreg:$0x4];
	[sflag:s6] =	ssyncset.done $0x0  }
.LBB2_2:
0xb1: {  	[sflag:s6] =	ssyncadd.s32 $0xFFFFFB00  }
0xb2: {  	[spmem:s7], [sflag:s5] =	dma.local [hbm:s0], $0x500  }
0xb3: {  	_ =	swait.ge [sflag:s6], $0x500  }
0xb4: {  	[sflag:s6] =	ssyncset.done $0x0  }
0xb5: {  	s0 =	rddreg [dreg:$0x5];
	[sflag:s6] =	ssyncadd.s32 $0xFFFFFB00  }
0xb6: {  	[spmem:s31], [sflag:s5] =	dma.local [hbm:s0], $0x500  }
0xb7: {  	_ =	swait.ge [sflag:s6], $0x500  }
0xb8: {  	[sflag:s6] =	ssyncset.done $0x0  }
0xb9: {  	s0 =	rddreg [dreg:$0x6];
	[sflag:s6] =	ssyncadd.s32 $0xFFFFFB00  }
0xba: {  	[tilespmem:s4], [sflag:$0x5] =	stream.linear.gather [hbm4b:s0+s4], $0x2800, $0x38;
	[tilespmem:$0x10000] =	vst v63  }
0xbb: {  	_ =	swait.ge [sflag:s6], $0x2800  }
0xbc: {  	[sflag:s6] =	ssyncset.done $0x0  }
0xbd: {  	[sflag:s6] =	ssyncadd.s32 $0xFFFFD800  }
0xbe: {  	[bflag:$0x0] =	sbarrier.arrive $0xFFFF  }
0xbf: {  	[tilespmem:s11], [sflag:$0x1] =	stream.indirect.gather [spmem:s3], $0x10, s4, s8, $0xb8;
	[tilespmem:$0x10000] =	vst v63  }
0xc0: {  	s0 =	rddreg [dreg:$0x7]  }
0xc1: {  	[tilespmem:s13], [sflag:$0x3] =	stream.linear.gather [hbm4b:s0+s4], $0x400, $0x38;
	[tilespmem:$0x10000] =	vst v63  }
0xc2: {  	_ = 	snop  }
0xc3: {  	[tilespmem:s9], [sflag:$0x2] =	stream.indirect.gather [spmem:s3], $0x10, s8, s8, $0xb8;
	[tilespmem:$0x10000] =	vst v63  }
0xc4: {  	s0 =	rddreg [dreg:$0x9]  }
0xc5: {  	[tilespmem:s10], [sflag:$0x4] =	stream.linear.gather [hbm4b:s0+s4], $0x400, $0x38;
	[tilespmem:$0x10000] =	vst v63  }
0xc6: {  	_ =	swait.ge [sflag:s18], $0x4000  }
0xc7: {  	[sflag:s18] =	ssyncset.done $0x0  }
0xc8: {  	[sflag:s18] =	ssyncadd.s32 $0xFFFFC000  }
0xc9: {  	_ =	swait.ge [sflag:s17], $0x400  }
0xca: {  	[sflag:s17] =	ssyncset.done $0x0  }
0xcb: {  	[sflag:s17] =	ssyncadd.s32 $0xFFFFFC00  }
0xcc: {  	[spmem:s2] =	stream.indirect.scatter.add.f32 [tilespmem:s11], [sflag:$0x6], $0x10, s13, s8, $0xb8;
	[tilespmem:$0x10000] =	vst v63  }
0xcd: {  	_ =	swait.ge [sflag:s16], $0x4000  }
0xce: {  	[sflag:s16] =	ssyncset.done $0x0  }
0xcf: {  	[sflag:s16] =	ssyncadd.s32 $0xFFFFC000  }
0xd0: {  	[tilespmem:s11], [sflag:$0x1] =	stream.indirect.gather [spmem:s3], $0x10, s30, s8, $0xb8;
	[tilespmem:$0x10000] =	vst v63  }
0xd1: {  	s0 =	rddreg [dreg:$0xa]  }
0xd2: {  	[tilespmem:s13], [sflag:$0x3] =	stream.linear.gather [hbm4b:s0+s4], $0x400, $0x38;
	[tilespmem:$0x10000] =	vst v63  }
0xd3: {  	_ =	swait.ge [sflag:s15], $0x4000  }
0xd4: {  	[sflag:s15] =	ssyncset.done $0x0  }
0xd5: {  	[sflag:s15] =	ssyncadd.s32 $0xFFFFC000  }
0xd6: {  	_ =	swait.ge [sflag:s12], $0x400  }
0xd7: {  	[sflag:s12] =	ssyncset.done $0x0  }
0xd8: {  	[sflag:s12] =	ssyncadd.s32 $0xFFFFFC00  }
0xd9: {  	[spmem:s2] =	stream.indirect.scatter.add.f32 [tilespmem:s9], [sflag:$0x5], $0x10, s10, s8, $0xb8;
	[tilespmem:$0x10000] =	vst v63  }
0xda: {  	_ =	swait.ge [sflag:s6], $0x4000  }
0xdb: {  	[sflag:s6] =	ssyncset.done $0x0  }
0xdc: {  	[sflag:s6] =	ssyncadd.s32 $0xFFFFC000  }
0xdd: {  	[tilespmem:s9], [sflag:$0x2] =	stream.indirect.gather [spmem:s3], $0x10, s29, s8, $0xb8;
	[tilespmem:$0x10000] =	vst v63  }
0xde: {  	s0 =	rddreg [dreg:$0xb]  }
0xdf: {  	[tilespmem:s10], [sflag:$0x4] =	stream.linear.gather [hbm4b:s0+s4], $0x400, $0x38;
	[tilespmem:$0x10000] =	vst v63  }
0xe0: {  	_ =	swait.ge [sflag:s18], $0x4000  }
0xe1: {  	[sflag:s18] =	ssyncset.done $0x0  }
0xe2: {  	[sflag:s18] =	ssyncadd.s32 $0xFFFFC000  }
0xe3: {  	_ =	swait.ge [sflag:s17], $0x400  }
0xe4: {  	[sflag:s17] =	ssyncset.done $0x0  }
0xe5: {  	[sflag:s17] =	ssyncadd.s32 $0xFFFFFC00  }
0xe6: {  	[spmem:s2] =	stream.indirect.scatter.add.f32 [tilespmem:s11], [sflag:$0x6], $0x10, s13, s8, $0xb8;
	[tilespmem:$0x10000] =	vst v63  }
0xe7: {  	_ =	swait.ge [sflag:s16], $0x4000  }
0xe8: {  	[sflag:s16] =	ssyncset.done $0x0  }
0xe9: {  	[sflag:s16] =	ssyncadd.s32 $0xFFFFC000  }
0xea: {  	[tilespmem:s11], [sflag:$0x1] =	stream.indirect.gather [spmem:s3], $0x10, s28, s8, $0xb8;
	[tilespmem:$0x10000] =	vst v63  }
0xeb: {  	s0 =	rddreg [dreg:$0xc]  }
0xec: {  	[tilespmem:s13], [sflag:$0x3] =	stream.linear.gather [hbm4b:s0+s4], $0x400, $0x38;
	[tilespmem:$0x10000] =	vst v63  }
0xed: {  	_ =	swait.ge [sflag:s15], $0x4000  }
0xee: {  	[sflag:s15] =	ssyncset.done $0x0  }
0xef: {  	[sflag:s15] =	ssyncadd.s32 $0xFFFFC000  }
0xf0: {  	_ =	swait.ge [sflag:s12], $0x400  }
0xf1: {  	[sflag:s12] =	ssyncset.done $0x0  }
0xf2: {  	[sflag:s12] =	ssyncadd.s32 $0xFFFFFC00  }
0xf3: {  	[spmem:s2] =	stream.indirect.scatter.add.f32 [tilespmem:s9], [sflag:$0x5], $0x10, s10, s8, $0xb8;
	[tilespmem:$0x10000] =	vst v63  }
0xf4: {  	_ =	swait.ge [sflag:s6], $0x4000  }
0xf5: {  	[sflag:s6] =	ssyncset.done $0x0  }
0xf6: {  	[sflag:s6] =	ssyncadd.s32 $0xFFFFC000  }
0xf7: {  	[tilespmem:s9], [sflag:$0x2] =	stream.indirect.gather [spmem:s3], $0x10, s26, s8, $0xb8;
	[tilespmem:$0x10000] =	vst v63  }
0xf8: {  	s0 =	rddreg [dreg:$0xd]  }
0xf9: {  	[tilespmem:s10], [sflag:$0x4] =	stream.linear.gather [hbm4b:s0+s4], $0x400, $0x38;
	[tilespmem:$0x10000] =	vst v63  }
0xfa: {  	_ =	swait.ge [sflag:s18], $0x4000  }
0xfb: {  	[sflag:s18] =	ssyncset.done $0x0  }
0xfc: {  	[sflag:s18] =	ssyncadd.s32 $0xFFFFC000  }
0xfd: {  	_ =	swait.ge [sflag:s17], $0x400  }
0xfe: {  	[sflag:s17] =	ssyncset.done $0x0  }
0xff: {  	[sflag:s17] =	ssyncadd.s32 $0xFFFFFC00  }
0x100: {  	[spmem:s2] =	stream.indirect.scatter.add.f32 [tilespmem:s11], [sflag:$0x6], $0x10, s13, s8, $0xb8;
	[tilespmem:$0x10000] =	vst v63  }
0x101: {  	_ =	swait.ge [sflag:s16], $0x4000  }
0x102: {  	[sflag:s16] =	ssyncset.done $0x0  }
0x103: {  	[sflag:s16] =	ssyncadd.s32 $0xFFFFC000  }
0x104: {  	[tilespmem:s11], [sflag:$0x1] =	stream.indirect.gather [spmem:s3], $0x10, s25, s8, $0xb8;
	[tilespmem:$0x10000] =	vst v63  }
0x105: {  	_ = 	snop  }
0x106: {  	[tilespmem:s13], [sflag:$0x3] =	stream.linear.gather [hbm4b:s22+s4], $0x400, $0x38;
	[tilespmem:$0x10000] =	vst v63  }
0x107: {  	_ =	swait.ge [sflag:s15], $0x4000  }
0x108: {  	[sflag:s15] =	ssyncset.done $0x0  }
0x109: {  	[sflag:s15] =	ssyncadd.s32 $0xFFFFC000  }
0x10a: {  	_ =	swait.ge [sflag:s12], $0x400  }
0x10b: {  	[sflag:s12] =	ssyncset.done $0x0  }
0x10c: {  	[sflag:s12] =	ssyncadd.s32 $0xFFFFFC00  }
0x10d: {  	[spmem:s2] =	stream.indirect.scatter.add.f32 [tilespmem:s9], [sflag:$0x5], $0x10, s10, s8, $0xb8;
	[tilespmem:$0x10000] =	vst v63  }
0x10e: {  	_ =	swait.ge [sflag:s6], $0x4000  }
0x10f: {  	[sflag:s6] =	ssyncset.done $0x0  }
0x110: {  	[sflag:s6] =	ssyncadd.s32 $0xFFFFC000  }
0x111: {  	[tilespmem:s9], [sflag:$0x2] =	stream.indirect.gather [spmem:s3], $0x10, s24, s8, $0xb8;
	[tilespmem:$0x10000] =	vst v63  }
0x112: {  	_ = 	snop  }
0x113: {  	[tilespmem:s10], [sflag:$0x4] =	stream.linear.gather [hbm4b:s20+s4], $0x400, $0x38;
	[tilespmem:$0x10000] =	vst v63  }
0x114: {  	_ =	swait.ge [sflag:s18], $0x4000  }
0x115: {  	[sflag:s18] =	ssyncset.done $0x0  }
0x116: {  	[sflag:s18] =	ssyncadd.s32 $0xFFFFC000  }
0x117: {  	_ =	swait.ge [sflag:s17], $0x400  }
0x118: {  	[sflag:s17] =	ssyncset.done $0x0  }
0x119: {  	[sflag:s17] =	ssyncadd.s32 $0xFFFFFC00  }
0x11a: {  	[spmem:s2] =	stream.indirect.scatter.add.f32 [tilespmem:s11], [sflag:$0x6], $0x10, s13, s8, $0xb8;
	[tilespmem:$0x10000] =	vst v63  }
0x11b: {  	_ =	swait.ge [sflag:s16], $0x4000  }
0x11c: {  	[sflag:s16] =	ssyncset.done $0x0  }
0x11d: {  	[sflag:s16] =	ssyncadd.s32 $0xFFFFC000  }
0x11e: {  	[tilespmem:s11], [sflag:$0x1] =	stream.indirect.gather [spmem:s3], $0x10, s23, s8, $0xb8;
	[tilespmem:$0x10000] =	vst v63  }
0x11f: {  	_ = 	snop  }
0x120: {  	[tilespmem:s13], [sflag:$0x3] =	stream.linear.gather [hbm4b:s19+s4], $0x400, $0x38;
	[tilespmem:$0x10000] =	vst v63  }
0x121: {  	_ =	swait.ge [sflag:s15], $0x4000  }
0x122: {  	[sflag:s15] =	ssyncset.done $0x0  }
0x123: {  	[sflag:s15] =	ssyncadd.s32 $0xFFFFC000  }
0x124: {  	_ =	swait.ge [sflag:s12], $0x400  }
0x125: {  	[sflag:s12] =	ssyncset.done $0x0  }
0x126: {  	[sflag:s12] =	ssyncadd.s32 $0xFFFFFC00  }
0x127: {  	[spmem:s2] =	stream.indirect.scatter.add.f32 [tilespmem:s9], [sflag:$0x5], $0x10, s10, s8, $0xb8;
	[tilespmem:$0x10000] =	vst v63  }
0x128: {  	_ =	swait.ge [sflag:s6], $0x4000  }
0x129: {  	[sflag:s6] =	ssyncset.done $0x0  }
0x12a: {  	[sflag:s6] =	ssyncadd.s32 $0xFFFFC000  }
0x12b: {  	[tilespmem:s9], [sflag:$0x2] =	stream.indirect.gather [spmem:s3], $0x10, s21, s8, $0xb8;
	[tilespmem:$0x10000] =	vst v63  }
0x12c: {  	_ = 	snop  }
0x12d: {  	[tilespmem:s10], [sflag:$0x4] =	stream.linear.gather [hbm4b:s14+s4], $0x400, $0x38;
	[tilespmem:$0x10000] =	vst v63  }
0x12e: {  	_ =	swait.ge [sflag:s18], $0x4000  }
0x12f: {  	[sflag:s18] =	ssyncset.done $0x0  }
0x130: {  	[sflag:s18] =	ssyncadd.s32 $0xFFFFC000  }
0x131: {  	_ =	swait.ge [sflag:s17], $0x400  }
0x132: {  	[sflag:s17] =	ssyncset.done $0x0  }
0x133: {  	[sflag:s17] =	ssyncadd.s32 $0xFFFFFC00  }
0x134: {  	[spmem:s2] =	stream.indirect.scatter.add.f32 [tilespmem:s11], [sflag:$0x6], $0x10, s13, s8, $0xb8;
	[tilespmem:$0x10000] =	vst v63  }
0x135: {  	_ =	swait.ge [sflag:s16], $0x4000  }
0x136: {  	[sflag:s16] =	ssyncset.done $0x0  }
0x137: {  	[sflag:s16] =	ssyncadd.s32 $0xFFFFC000  }
0x138: {  	_ =	swait.ge [sflag:s15], $0x4000  }
0x139: {  	[sflag:s15] =	ssyncset.done $0x0  }
0x13a: {  	[sflag:s15] =	ssyncadd.s32 $0xFFFFC000  }
0x13b: {  	_ =	swait.ge [sflag:s12], $0x400  }
0x13c: {  	[sflag:s12] =	ssyncset.done $0x0  }
0x13d: {  	[sflag:s12] =	ssyncadd.s32 $0xFFFFFC00  }
0x13e: {  	[spmem:s2] =	stream.indirect.scatter.add.f32 [tilespmem:s9], [sflag:$0x5], $0x10, s10, s8, $0xb8;
	[tilespmem:$0x10000] =	vst v63  }
0x13f: {  	_ =	swait.ge [sflag:s6], $0x4000  }
0x140: {  	[sflag:s6] =	ssyncset.done $0x0  }
0x141: {  	p1 =	sne.s32 s1, $0x1;
	[sflag:s6] =	ssyncadd.s32 $0xFFFFC000  }
.Ltmp2:
0x142: {  	[bflag:$0x0] =	sbarrier.arrive $0xFFFF;
	(pc) =	sbr.rel @p1 .LBB2_2-.Ltmp2, $4  }
0x143: {  	s0 =	rddreg [dreg:$0x8]  }
0x144: {  	[hbm:s0], [sflag:s5] =	dma.local [spmem:s7], $0x500  }
0x145: {  	_ =	swait.ge [sflag:s6], $0x500  }
0x146: {  	s1 =	sadd.s32 $0xFFFFFFFF, s1;
	s0 =	rddreg [dreg:$0x4];
	[sflag:s6] =	ssyncset.done $0x0  }
.LBB2_3:
0x147: {  	[sflag:s6] =	ssyncadd.s32 @p0 $0xFFFFFB00  }
0x148: {  	[spmem:s7], [sflag:s5] =	dma.local [hbm:s0], $0x500  }
0x149: {  	_ =	swait.ge [sflag:s6], $0x500  }
0x14a: {  	[sflag:s6] =	ssyncset.done $0x0  }
0x14b: {  	s1 =	rddreg [dreg:$0x5];
	[sflag:s6] =	ssyncadd.s32 $0xFFFFFB00  }
0x14c: {  	[spmem:s31], [sflag:s5] =	dma.local [hbm:s1], $0x500  }
0x14d: {  	_ =	swait.ge [sflag:s6], $0x500  }
0x14e: {  	[sflag:s6] =	ssyncset.done $0x0  }
0x14f: {  	s31 =	rddreg [dreg:$0x6];
	[sflag:s6] =	ssyncadd.s32 $0xFFFFFB00  }
0x150: {  	[tilespmem:s4], [sflag:$0x5] =	stream.linear.gather [hbm4b:s31+s4], $0x2800, $0x38;
	[tilespmem:$0x10000] =	vst v63  }
0x151: {  	_ =	swait.ge [sflag:s6], $0x2800  }
0x152: {  	[sflag:s6] =	ssyncset.done $0x0  }
0x153: {  	[sflag:s6] =	ssyncadd.s32 $0xFFFFD800  }
0x154: {  	[bflag:$0x0] =	sbarrier.arrive $0xFFFF  }
0x155: {  	[tilespmem:s11], [sflag:$0x1] =	stream.indirect.gather [spmem:s3], $0x10, s4, s8, $0xb8;
	[tilespmem:$0x10000] =	vst v63  }
0x156: {  	s1 =	rddreg [dreg:$0x7]  }
0x157: {  	[tilespmem:s13], [sflag:$0x3] =	stream.linear.gather [hbm4b:s1+s4], $0x400, $0x38;
	[tilespmem:$0x10000] =	vst v63  }
0x158: {  	_ = 	snop  }
0x159: {  	[tilespmem:s9], [sflag:$0x2] =	stream.indirect.gather [spmem:s3], $0x10, s8, s8, $0xb8;
	[tilespmem:$0x10000] =	vst v63  }
0x15a: {  	s31 =	rddreg [dreg:$0x9]  }
0x15b: {  	[tilespmem:s10], [sflag:$0x4] =	stream.linear.gather [hbm4b:s31+s4], $0x400, $0x38;
	[tilespmem:$0x10000] =	vst v63  }
0x15c: {  	_ =	swait.ge [sflag:s18], $0x4000  }
0x15d: {  	[sflag:s18] =	ssyncset.done $0x0  }
0x15e: {  	[sflag:s18] =	ssyncadd.s32 $0xFFFFC000  }
0x15f: {  	_ =	swait.ge [sflag:s17], $0x400  }
0x160: {  	[sflag:s17] =	ssyncset.done $0x0  }
0x161: {  	[sflag:s17] =	ssyncadd.s32 $0xFFFFFC00  }
0x162: {  	[spmem:s2] =	stream.indirect.scatter.add.f32 [tilespmem:s11], [sflag:$0x6], $0x10, s13, s8, $0xb8;
	[tilespmem:$0x10000] =	vst v63  }
0x163: {  	_ =	swait.ge [sflag:s16], $0x4000  }
0x164: {  	[sflag:s16] =	ssyncset.done $0x0  }
0x165: {  	[sflag:s16] =	ssyncadd.s32 $0xFFFFC000  }
0x166: {  	[tilespmem:s11], [sflag:$0x1] =	stream.indirect.gather [spmem:s3], $0x10, s30, s8, $0xb8;
	[tilespmem:$0x10000] =	vst v63  }
0x167: {  	s1 =	rddreg [dreg:$0xa]  }
0x168: {  	[tilespmem:s13], [sflag:$0x3] =	stream.linear.gather [hbm4b:s1+s4], $0x400, $0x38;
	[tilespmem:$0x10000] =	vst v63  }
0x169: {  	_ =	swait.ge [sflag:s15], $0x4000  }
0x16a: {  	[sflag:s15] =	ssyncset.done $0x0  }
0x16b: {  	[sflag:s15] =	ssyncadd.s32 $0xFFFFC000  }
0x16c: {  	_ =	swait.ge [sflag:s12], $0x400  }
0x16d: {  	[sflag:s12] =	ssyncset.done $0x0  }
0x16e: {  	[sflag:s12] =	ssyncadd.s32 $0xFFFFFC00  }
0x16f: {  	[spmem:s2] =	stream.indirect.scatter.add.f32 [tilespmem:s9], [sflag:$0x5], $0x10, s10, s8, $0xb8;
	[tilespmem:$0x10000] =	vst v63  }
0x170: {  	_ =	swait.ge [sflag:s6], $0x4000  }
0x171: {  	[sflag:s6] =	ssyncset.done $0x0  }
0x172: {  	[sflag:s6] =	ssyncadd.s32 $0xFFFFC000  }
0x173: {  	[tilespmem:s9], [sflag:$0x2] =	stream.indirect.gather [spmem:s3], $0x10, s29, s8, $0xb8;
	[tilespmem:$0x10000] =	vst v63  }
0x174: {  	s31 =	rddreg [dreg:$0xb]  }
0x175: {  	[tilespmem:s10], [sflag:$0x4] =	stream.linear.gather [hbm4b:s31+s4], $0x400, $0x38;
	[tilespmem:$0x10000] =	vst v63  }
0x176: {  	_ =	swait.ge [sflag:s18], $0x4000  }
0x177: {  	[sflag:s18] =	ssyncset.done $0x0  }
0x178: {  	[sflag:s18] =	ssyncadd.s32 $0xFFFFC000  }
0x179: {  	_ =	swait.ge [sflag:s17], $0x400  }
0x17a: {  	[sflag:s17] =	ssyncset.done $0x0  }
0x17b: {  	[sflag:s17] =	ssyncadd.s32 $0xFFFFFC00  }
0x17c: {  	[spmem:s2] =	stream.indirect.scatter.add.f32 [tilespmem:s11], [sflag:$0x6], $0x10, s13, s8, $0xb8;
	[tilespmem:$0x10000] =	vst v63  }
0x17d: {  	_ =	swait.ge [sflag:s16], $0x4000  }
0x17e: {  	[sflag:s16] =	ssyncset.done $0x0  }
0x17f: {  	[sflag:s16] =	ssyncadd.s32 $0xFFFFC000  }
0x180: {  	[tilespmem:s11], [sflag:$0x1] =	stream.indirect.gather [spmem:s3], $0x10, s28, s8, $0xb8;
	[tilespmem:$0x10000] =	vst v63  }
0x181: {  	s1 =	rddreg [dreg:$0xc]  }
0x182: {  	[tilespmem:s13], [sflag:$0x3] =	stream.linear.gather [hbm4b:s1+s4], $0x400, $0x38;
	[tilespmem:$0x10000] =	vst v63  }
0x183: {  	_ =	swait.ge [sflag:s15], $0x4000  }
0x184: {  	[sflag:s15] =	ssyncset.done $0x0  }
0x185: {  	[sflag:s15] =	ssyncadd.s32 $0xFFFFC000  }
0x186: {  	_ =	swait.ge [sflag:s12], $0x400  }
0x187: {  	[sflag:s12] =	ssyncset.done $0x0  }
0x188: {  	[sflag:s12] =	ssyncadd.s32 $0xFFFFFC00  }
0x189: {  	[spmem:s2] =	stream.indirect.scatter.add.f32 [tilespmem:s9], [sflag:$0x5], $0x10, s10, s8, $0xb8;
	[tilespmem:$0x10000] =	vst v63  }
0x18a: {  	_ =	swait.ge [sflag:s6], $0x4000  }
0x18b: {  	[sflag:s6] =	ssyncset.done $0x0  }
0x18c: {  	[sflag:s6] =	ssyncadd.s32 $0xFFFFC000  }
0x18d: {  	[tilespmem:s9], [sflag:$0x2] =	stream.indirect.gather [spmem:s3], $0x10, s26, s8, $0xb8;
	[tilespmem:$0x10000] =	vst v63  }
0x18e: {  	s29 =	rddreg [dreg:$0xd]  }
0x18f: {  	[tilespmem:s10], [sflag:$0x4] =	stream.linear.gather [hbm4b:s29+s4], $0x400, $0x38;
	[tilespmem:$0x10000] =	vst v63  }
0x190: {  	_ =	swait.ge [sflag:s18], $0x4000  }
0x191: {  	[sflag:s18] =	ssyncset.done $0x0  }
0x192: {  	[sflag:s18] =	ssyncadd.s32 $0xFFFFC000  }
0x193: {  	_ =	swait.ge [sflag:s17], $0x400  }
0x194: {  	[sflag:s17] =	ssyncset.done $0x0  }
0x195: {  	[sflag:s17] =	ssyncadd.s32 $0xFFFFFC00  }
0x196: {  	[spmem:s2] =	stream.indirect.scatter.add.f32 [tilespmem:s11], [sflag:$0x6], $0x10, s13, s8, $0xb8;
	[tilespmem:$0x10000] =	vst v63  }
0x197: {  	_ =	swait.ge [sflag:s16], $0x4000  }
0x198: {  	[sflag:s16] =	ssyncset.done $0x0  }
0x199: {  	[sflag:s16] =	ssyncadd.s32 $0xFFFFC000  }
0x19a: {  	[tilespmem:s11], [sflag:$0x1] =	stream.indirect.gather [spmem:s3], $0x10, s25, s8, $0xb8;
	[tilespmem:$0x10000] =	vst v63  }
0x19b: {  	_ = 	snop  }
0x19c: {  	[tilespmem:s13], [sflag:$0x3] =	stream.linear.gather [hbm4b:s22+s4], $0x400, $0x38;
	[tilespmem:$0x10000] =	vst v63  }
0x19d: {  	_ =	swait.ge [sflag:s15], $0x4000  }
0x19e: {  	[sflag:s15] =	ssyncset.done $0x0  }
0x19f: {  	[sflag:s15] =	ssyncadd.s32 $0xFFFFC000  }
0x1a0: {  	_ =	swait.ge [sflag:s12], $0x400  }
0x1a1: {  	[sflag:s12] =	ssyncset.done $0x0  }
0x1a2: {  	[sflag:s12] =	ssyncadd.s32 $0xFFFFFC00  }
0x1a3: {  	[spmem:s2] =	stream.indirect.scatter.add.f32 [tilespmem:s9], [sflag:$0x5], $0x10, s10, s8, $0xb8;
	[tilespmem:$0x10000] =	vst v63  }
0x1a4: {  	_ =	swait.ge [sflag:s6], $0x4000  }
0x1a5: {  	[sflag:s6] =	ssyncset.done $0x0  }
0x1a6: {  	[sflag:s6] =	ssyncadd.s32 $0xFFFFC000  }
0x1a7: {  	[tilespmem:s9], [sflag:$0x2] =	stream.indirect.gather [spmem:s3], $0x10, s24, s8, $0xb8;
	[tilespmem:$0x10000] =	vst v63  }
0x1a8: {  	_ = 	snop  }
0x1a9: {  	[tilespmem:s10], [sflag:$0x4] =	stream.linear.gather [hbm4b:s20+s4], $0x400, $0x38;
	[tilespmem:$0x10000] =	vst v63  }
0x1aa: {  	_ =	swait.ge [sflag:s18], $0x4000  }
0x1ab: {  	[sflag:s18] =	ssyncset.done $0x0  }
0x1ac: {  	[sflag:s18] =	ssyncadd.s32 $0xFFFFC000  }
0x1ad: {  	_ =	swait.ge [sflag:s17], $0x400  }
0x1ae: {  	[sflag:s17] =	ssyncset.done $0x0  }
0x1af: {  	[sflag:s17] =	ssyncadd.s32 $0xFFFFFC00  }
0x1b0: {  	[spmem:s2] =	stream.indirect.scatter.add.f32 [tilespmem:s11], [sflag:$0x6], $0x10, s13, s8, $0xb8;
	[tilespmem:$0x10000] =	vst v63  }
0x1b1: {  	_ =	swait.ge [sflag:s16], $0x4000  }
0x1b2: {  	[sflag:s16] =	ssyncset.done $0x0  }
0x1b3: {  	[sflag:s16] =	ssyncadd.s32 $0xFFFFC000  }
0x1b4: {  	[tilespmem:s11], [sflag:$0x1] =	stream.indirect.gather [spmem:s3], $0x10, s23, s8, $0xb8;
	[tilespmem:$0x10000] =	vst v63  }
0x1b5: {  	_ = 	snop  }
0x1b6: {  	[tilespmem:s13], [sflag:$0x3] =	stream.linear.gather [hbm4b:s19+s4], $0x400, $0x38;
	[tilespmem:$0x10000] =	vst v63  }
0x1b7: {  	_ =	swait.ge [sflag:s15], $0x4000  }
0x1b8: {  	[sflag:s15] =	ssyncset.done $0x0  }
0x1b9: {  	[sflag:s15] =	ssyncadd.s32 $0xFFFFC000  }
0x1ba: {  	_ =	swait.ge [sflag:s12], $0x400  }
0x1bb: {  	[sflag:s12] =	ssyncset.done $0x0  }
0x1bc: {  	[sflag:s12] =	ssyncadd.s32 $0xFFFFFC00  }
0x1bd: {  	[spmem:s2] =	stream.indirect.scatter.add.f32 [tilespmem:s9], [sflag:$0x5], $0x10, s10, s8, $0xb8;
	[tilespmem:$0x10000] =	vst v63  }
0x1be: {  	_ =	swait.ge [sflag:s6], $0x4000  }
0x1bf: {  	[sflag:s6] =	ssyncset.done $0x0  }
0x1c0: {  	[sflag:s6] =	ssyncadd.s32 $0xFFFFC000  }
0x1c1: {  	[tilespmem:s9], [sflag:$0x2] =	stream.indirect.gather [spmem:s3], $0x10, s21, s8, $0xb8;
	[tilespmem:$0x10000] =	vst v63  }
0x1c2: {  	_ = 	snop  }
0x1c3: {  	[tilespmem:s10], [sflag:$0x4] =	stream.linear.gather [hbm4b:s14+s4], $0x400, $0x38;
	[tilespmem:$0x10000] =	vst v63  }
0x1c4: {  	_ =	swait.ge [sflag:s18], $0x4000  }
0x1c5: {  	[sflag:s18] =	ssyncset.done $0x0  }
0x1c6: {  	[sflag:s18] =	ssyncadd.s32 $0xFFFFC000  }
0x1c7: {  	_ =	swait.ge [sflag:s17], $0x400  }
0x1c8: {  	[sflag:s17] =	ssyncset.done $0x0  }
0x1c9: {  	[sflag:s17] =	ssyncadd.s32 $0xFFFFFC00  }
0x1ca: {  	[spmem:s2] =	stream.indirect.scatter.add.f32 [tilespmem:s11], [sflag:$0x6], $0x10, s13, s8, $0xb8;
	[tilespmem:$0x10000] =	vst v63  }
0x1cb: {  	_ =	swait.ge [sflag:s16], $0x4000  }
0x1cc: {  	[sflag:s16] =	ssyncset.done $0x0  }
0x1cd: {  	[sflag:s16] =	ssyncadd.s32 $0xFFFFC000  }
0x1ce: {  	_ =	swait.ge [sflag:s15], $0x4000  }
0x1cf: {  	[sflag:s15] =	ssyncset.done $0x0  }
0x1d0: {  	[sflag:s15] =	ssyncadd.s32 $0xFFFFC000  }
0x1d1: {  	_ =	swait.ge [sflag:s12], $0x400  }
0x1d2: {  	[sflag:s12] =	ssyncset.done $0x0  }
0x1d3: {  	[sflag:s12] =	ssyncadd.s32 $0xFFFFFC00  }
0x1d4: {  	[spmem:s2] =	stream.indirect.scatter.add.f32 [tilespmem:s9], [sflag:$0x5], $0x10, s10, s8, $0xb8;
	[tilespmem:$0x10000] =	vst v63  }
0x1d5: {  	_ =	swait.ge [sflag:s6], $0x4000  }
0x1d6: {  	[sflag:s6] =	ssyncset.done $0x0  }
0x1d7: {  	[sflag:s6] =	ssyncadd.s32 $0xFFFFC000  }
0x1d8: {  	[bflag:$0x0] =	sbarrier.arrive $0xFFFF  }
0x1d9: {  	s30 =	rddreg [dreg:$0x8]  }
0x1da: {  	[hbm:s30], [sflag:s5] =	dma.local [spmem:s7], $0x500  }
0x1db: {  	_ =	swait.ge [sflag:s6], $0x500  }
0x1dc: {  	[sflag:s6] =	ssyncset.done $0x0  }
0x1dd: {  	[sflag:s6] =	ssyncadd.s32 $0xFFFFFB00  }
0x1de: {  	_ =	sfence.sel $0x180000  }
0x1df: {  	[bflag:$0x0] =	sbarrier.arrive $0xFFFF  }
0x1e0: {  	_ =	strace $0x9000004D  }
0x1e1: {  	s31 =	stileid.u32;
	[bflag:$0x2] =	sbarrier.arrive $0xFFFF  }
0x1e2: {  	p0 =	sne.s32 s31, $0x0;
	s0 =	rddreg [dreg:$0x3]  }
0x1e3: {  	s0 =	sadd.s32 @!p0 $0x100000, s0  }
0x1e4: {  	[sflag:s0] =	ssyncadd.tile.s32 @!p0 $0x1;
	_ =	shalt  }
.Lfunc_end2:
_tile_overlayer_lowered:
.L_overlay_start_2:
0x1e5: {  	(tag) =	ssettag $0x2  }
0x1e6: {  	s0 =	rddreg [dreg:$0x0];
	s2 =	stileid.u32  }
0x1e7: {  	s1 =	rddreg [dreg:$0x1];
	p0 =	sne.s32 s2, $0x0  }
0x1e8: {  	s3 =	rddreg [dreg:$0x2];
	[bflag:$0x3] =	sbarrier.arrive $0xFFFF;
	s2 =	simm.s32 @!p0 $0x1C05  }
0x1e9: {  	[timem:s3], [sflag:s2] =	dma.local @!p0 [hbm:s0], s1  }
0x1ea: {  	s0 =	simm.s32 @!p0 $0x5  }
0x1eb: {  	_ =	swait.ge @!p0 [sflag:s0], s1  }
0x1ec: {  	s1 =	ssub.s32 @!p0 $0x0, s1;
	[sflag:s0] =	ssyncset.done @!p0 $0x0  }
0x1ed: {  	[sflag:s0] =	ssyncadd.s32 @!p0 s1  }
0x1ee: {  	[bflag:$0x3] =	sbarrier.arrive $0xFFFF  }
0x1ef: {  	_ =	shalt  }

// kernel: kernel.9.cloned.1.call-start
scs
__scs_entry_jumppad:
0x0: {  	(pc) =	sbr.rel $0x88, $3  }
0x1: {  	(tag) =	ssettag $0x0;
	lr =	simm.s32 $0x1  }
0x2: {  	[smem:$0x3F98] =	sst lr;
	_ =	strace $0xD0000000  }
0x3: {  	_ = 	snop  }
0x4: {  	_ = 	snop  }
0x5: {  	_ = 	snop  }
0x6: {  	_ = 	snop  }
0x7: {  	_ = 	snop  }
__scs_overlays_trampoline_lowered:
0x8: {  	[smem:$0x3FA7] =	sst s0  }
0x9: {  	[smem:$0x3FA8] =	sst s1  }
0xa: {  	[smem:$0x3FA9] =	sst s2  }
0xb: {  	[smem:$0x3FAA] =	sst s3  }
0xc: {  	[smem:$0x3FAB] =	sst s4  }
0xd: {  	[smem:$0x3FAC] =	sst s5  }
0xe: {  	[smem:$0x3FAD] =	sst s6  }
0xf: {  	[smem:$0x3FAE] =	sst s7  }
0x10: {  	[smem:$0x3FAF] =	sst s8  }
0x11: {  	[smem:$0x3FB0] =	sst s9;
	s0 =	simm.s32 @!p0 $0x0  }
0x12: {  	s1 =	sld [smem:$0x3F96];
	s0 =	simm.s32 @p0 $0x1  }
0x13: {  	[smem:$0x3FB1] =	sst s0;
	s0 =	simm.s32 @!p1 $0x0  }
0x14: {  	s2 =	sld [smem:$0x3F95];
	s0 =	simm.s32 @p1 $0x1  }
0x15: {  	[smem:$0x3FB2] =	sst s0;
	s0 =	simm.s32 @!p2 $0x0  }
0x16: {  	s3 =	sld [smem:$0x3FDB];
	s0 =	simm.s32 @p2 $0x1  }
0x17: {  	s4 =	simm.s32 $0x1BF5;
	[smem:$0x3FB4] =	sst s0  }
0x18: {  	s0 =	sld [smem:$0x3F97];
	_ =	swait.ge [sflag:s4], $0x0  }
0x19: {  	s7 =	sld [smem:$0x3F98]  }
0x1a: {  	s8 =	sadd.s32 $0xFFFFE003, lr  }
0x1b: {  	s9 =	sadd.s32 $0xFFFFFEF7, lr;
	s5 =	simm.s32 $0xFFFFFFFF;
	p2 =	slt.u32 s8, $0xFFFFF086  }
0x1c: {  	p1 =	slt.u32 s9, $0xF7A;
	s5 =	simm.s32 @!p2 $0x0  }
0x1d: {  	s5 =	simm.s32 @p1 $0x1;
	p0 =	seq.s32 s7, s2  }
0x1e: {  	s7 =	smul.u32 @!p0 $0xF7A, s2;
	p2 =	seq.s32 @!p0 s5, $0x0  }
0x1f: {  	s9 =	smul.u32 $0xF7A, s1;
	s8 =	simm.s32 @!p0 $0x1BF5;
	p2 =	por !p2, p0  }
0x20: {  	[sflag:s8] =	ssyncset.s32 @!p0 $0xFFFFF086;
	s6 =	sadd.s32 @!p0 s3, s7;
	s7 =	simm.s32 @!p0 $0x108  }
0x21: {  	s3 =	sadd.s32 s3, s9;
	s6 =	sadd.s32 @!p0 $0x88, s6;
	s7 =	simm.s32 @p2 $0x1082  }
0x22: {  	[simem:s7], [sflag:s8] =	dma.local @!p0 [hbm:s6], $0xF7A  }
0x23: {  	s9 =	sor.u32 $0xD0000000, s2;
	s6 =	simm.s32 $0x108;
	_ =	swait.ge @!p0 [sflag:s8], $0x0  }
0x24: {  	s3 =	sadd.s32 $0x88, s3;
	s6 =	simm.s32 @!p1 $0x1082;
	[sflag:s4] =	ssyncset.s32 $0xFFFFF086  }
0x25: {  	[simem:s6], [sflag:s4] =	dma.local [hbm:s3], $0xF7A  }
0x26: {  	[smem:$0x3F98] =	sst s1;
	(tag) =	ssettag s2;
	_ =	strace s9  }
0x27: {  	s1 =	sld [smem:$0x3FA8]  }
0x28: {  	s2 =	sld [smem:$0x3FA9]  }
0x29: {  	s4 =	sld [smem:$0x3FAB]  }
0x2a: {  	p0 =	seq.s32 s5, $0x0;
	s5 =	sld [smem:$0x3FAC]  }
0x2b: {  	s6 =	sld [smem:$0x3FAD]  }
0x2c: {  	s7 =	sld [smem:$0x3FAE]  }
0x2d: {  	s3 =	simm.s32 $0x108;
	s8 =	sld [smem:$0x3FAF]  }
0x2e: {  	s3 =	simm.s32 @!p0 $0x1082;
	s9 =	sld [smem:$0x3FB0]  }
0x2f: {  	lr =	sadd.s32 s0, s3;
	s0 =	sld [smem:$0x3FA7]  }
0x30: {  	s3 =	sld [smem:$0x3FAA]  }
0x31: {  	[smem:$0x3FB3] =	sst s10  }
0x32: {  	s10 =	sld [smem:$0x3FB1];
	_ =	sdelay $0x3  }
0x33: {  	p0 =	seq.s32 s10, $0x1;
	s10 =	sld [smem:$0x3FB3];
	_ =	sdelay $0x3  }
0x34: {  	[smem:$0x3FB3] =	sst s10  }
0x35: {  	s10 =	sld [smem:$0x3FB2];
	_ =	sdelay $0x3  }
0x36: {  	p1 =	seq.s32 s10, $0x1;
	s10 =	sld [smem:$0x3FB3];
	_ =	sdelay $0x3  }
0x37: {  	[smem:$0x3FB3] =	sst s10  }
0x38: {  	s10 =	sld [smem:$0x3FB4]  }
0x39: {  	_ = 	snop;
	(pc) =	sbr.ind lr, $3  }
0x3a: {  	_ = 	snop  }
0x3b: {  	_ = 	snop  }
0x3c: {  	p2 =	seq.s32 s10, $0x1;
	s10 =	sld [smem:$0x3FB3]  }
0x3d: {  	_ =	shalt  }
0x3e: {  	_ =	shalt  }
0x3f: {  	_ =	shalt  }
0x40: {  	_ =	shalt  }
0x41: {  	_ =	shalt  }
0x42: {  	_ =	shalt  }
0x43: {  	_ =	shalt  }
0x44: {  	_ =	shalt  }
0x45: {  	_ =	shalt  }
0x46: {  	_ =	shalt  }
0x47: {  	_ =	shalt  }
0x48: {  	_ =	shalt  }
0x49: {  	_ =	shalt  }
0x4a: {  	_ =	shalt  }
0x4b: {  	_ =	shalt  }
0x4c: {  	_ =	shalt  }
0x4d: {  	_ =	shalt  }
0x4e: {  	_ =	shalt  }
0x4f: {  	_ =	shalt  }
0x50: {  	_ =	shalt  }
0x51: {  	_ =	shalt  }
0x52: {  	_ =	shalt  }
0x53: {  	_ =	shalt  }
0x54: {  	_ =	shalt  }
0x55: {  	_ =	shalt  }
0x56: {  	_ =	shalt  }
0x57: {  	_ =	shalt  }
0x58: {  	_ =	shalt  }
0x59: {  	_ =	shalt  }
0x5a: {  	_ =	shalt  }
0x5b: {  	_ =	shalt  }
0x5c: {  	_ =	shalt  }
0x5d: {  	_ =	shalt  }
0x5e: {  	_ =	shalt  }
0x5f: {  	_ =	shalt  }
0x60: {  	_ =	shalt  }
0x61: {  	_ =	shalt  }
0x62: {  	_ =	shalt  }
0x63: {  	_ =	shalt  }
0x64: {  	_ =	shalt  }
0x65: {  	_ =	shalt  }
0x66: {  	_ =	shalt  }
0x67: {  	_ =	shalt  }
0x68: {  	_ =	shalt  }
0x69: {  	_ =	shalt  }
0x6a: {  	_ =	shalt  }
0x6b: {  	_ =	shalt  }
0x6c: {  	_ =	shalt  }
0x6d: {  	_ =	shalt  }
0x6e: {  	_ =	shalt  }
0x6f: {  	_ =	shalt  }
0x70: {  	_ =	shalt  }
0x71: {  	_ =	shalt  }
0x72: {  	_ =	shalt  }
0x73: {  	_ =	shalt  }
0x74: {  	_ =	shalt  }
0x75: {  	_ =	shalt  }
0x76: {  	_ =	shalt  }
0x77: {  	_ =	shalt  }
0x78: {  	_ =	shalt  }
0x79: {  	_ =	shalt  }
0x7a: {  	_ =	shalt  }
0x7b: {  	_ =	shalt  }
0x7c: {  	_ =	shalt  }
0x7d: {  	_ =	shalt  }
0x7e: {  	_ =	shalt  }
0x7f: {  	_ =	shalt  }
0x80: {  	_ =	shalt  }
0x81: {  	_ =	shalt  }
0x82: {  	_ =	shalt  }
0x83: {  	_ =	shalt  }
0x84: {  	_ =	shalt  }
0x85: {  	_ =	shalt  }
0x86: {  	_ =	shalt  }
0x87: {  	_ =	shalt  }
.Lfunc_end0:
.L_simem_size_0:
called_computation_lowered:
.L_overlay_start_0:
0x88: {  	s2 =	sld [smem:$0x3FD9]  }
0x89: {  	s3 =	sld [smem:$0x3FFE];
	_ =	sdelay $0x1  }
0x8a: {  	s1 =	srdreg.scid  }
0x8b: {  	s0 =	sand.u32 $0x1, s1  }
0x8c: {  	s16 =	sshll.u32 s0, $0xA;
	s2 =	sadd.s32 s3, s2  }
0x8d: {  	s2 =	sadd.s32 s2, s16  }
0x8e: {  	[smem:$0x3FBF] =	sst s2  }
0x8f: {  	_ = 	snop  }
0x90: {  	(tm) =	ssettm $0x1  }
0x91: {  	s17 =	sld [smem:$0x3FFB];
	_ =	sdelay $0x3  }
0x92: {  	_ =	strace s17  }
0x93: {  	s2 =	sld [smem:$0x3FFC];
	_ =	sdelay $0x3  }
0x94: {  	_ =	strace s2  }
0x95: {  	s2 =	sld [smem:$0x3FFD];
	_ =	sdelay $0x3  }
0x96: {  	_ =	strace s2  }
0x97: {  	_ =	strace $0x8FFFFFFF  }
0x98: {  	s18 =	sld [smem:$0x3FDB];
	_ =	sdelay $0x1  }
0x99: {  	s19 =	simm.s32 $_scs_section_size  }
0x9a: {  	s4 =	simm.s32 $_size__tile_overlayer_lowered;
	s5 =	simm.s32 $_tile_overlayer_lowered  }
0x9b: {  	s22 =	simm.s32 $0x1BFF;
	s21 =	sshll.u32 s5, $0x1;
	s2 =	sadd.s32 s19, s18  }
0x9c: {  	s6 =	simm.s32 $0x0;
	s20 =	sshll.u32 s4, $0x1;
	s4 =	sadd.s32 s21, s2  }
0x9d: {  	[timem:s6], [sflag:s22] =	dma.local [hbm:s4], s20  }
0x9e: {  	_ =	swait.ge [sflag:s22], s20  }
0x9f: {  	s3 =	ssub.s32 $0x0, s20;
	[sflag:s22] =	ssyncset.done $0x0  }
0xa0: {  	[sflag:s22] =	ssyncadd.s32 s3;
	_ =	sdelay $0x1  }
0xa1: {  	s23 =	simm.s32 $0x1B8B  }
0xa2: {  	_ =	swait.ge [sflag:s23], $0x1  }
0xa3: {  	[sflag:s23] =	ssyncset.done $0x0  }
0xa4: {  	s25 =	simm.s32 $0x1B8E;
	s24 =	sld [smem:$0x3FFE];
	[sflag:s23] =	ssyncadd.s32 $0xFFFFFFFF  }
0xa5: {  	s26 =	simm.s32 $execute0_lowered;
	[smem:$0x3FD2] =	sst s25  }
0xa6: {  	s4 =	sshll.u32 s26, $0x1;
	_ =	strace $0x80000046;
	[dreg:$0x1] =	wrdreg $0xFFFFFFFF  }
0xa7: {  	s28 =	simm.s32 $_size_execute0_lowered;
	s2 =	sadd.s32 s2, s4;
	[dreg:$0x0] =	wrdreg $0x0  }
0xa8: {  	s4 =	sshll.u32 s28, $0x1;
	[dreg:$0x2] =	wrdreg s2  }
0xa9: {  	[dreg:$0x3] =	wrdreg s4  }
0xaa: {  	[dreg:$0x4] =	wrdreg $0xC0  }
0xab: {  	_ =	task [dreg:s6], $0x5FFFF  }
0xac: {  	[dreg:$0x1] =	wrdreg $0xFFFFFFFF  }
0xad: {  	[dreg:$0x0] =	wrdreg $0x60  }
0xae: {  	[dreg:$0x2] =	wrdreg s24  }
0xaf: {  	[dreg:$0x3] =	wrdreg $0x90000  }
0xb0: {  	[dreg:$0x4] =	wrdreg $0x9  }
0xb1: {  	_ =	task.clear_ibuf [dreg:s6], $0x5FFFF;
	_ =	strace $0x90000046  }
0xb2: {  	s29 =	simm.s32 $0x9;
	_ =	strace $0x80000048  }
0xb3: {  	_ =	swait.ge [sflag:s29], $0x1  }
0xb4: {  	[sflag:s29] =	ssyncadd.s32 $0xFFFFFFFF  }
0xb5: {  	_ =	strace $0x90000048  }
0xb6: {  	_ =	sfence  }
0xb7: {  	s30 =	sld [smem:$0x0];
	_ =	sdelay $0x2  }
0xb8: {  	s31 =	sshll.u32 s1, $0xD;
	s1 =	sshrl.u32 s1, $0x2  }
0xb9: {  	s3 =	sand.u32 $0x4000, s31;
	s1 =	sadd.s32 s1, s30  }
0xba: {  	s0 =	sor.u32 s3, s0;
	s1 =	sshll.u32 s1, $0x11  }
0xbb: {  	s0 =	sor.u32 s1, s0  }
0xbc: {  	s0 =	sadd.s32 $0x8F2B, s0  }
0xbd: {  	[sflag:s0] =	ssyncadd.remote.s32 $0x1  }
0xbe: {  	_ =	sfence.sel $0xFFFF  }
0xbf: {  	[dreg:$0x0] =	wrdreg $0xFFFFFFFF;
	(pc) =	sbr.abs _section_cstart, $3  }
0xc0: {  	[dreg:$0x1] =	wrdreg $0xFFFFFFFF  }
0xc1: {  	_ =	task.clear_ibuf [dreg:s6], $0x2FFFF;
	_ =	strace $0x9FFFFFFF  }
0xc2: {  	(tm) =	ssettm $0x7FFFFFFF  }
0xc3: {  	_ =	shalt  }
tec
execute0_lowered:
.L_overlay_start_1:
0x0: {  	(tag) =	ssettag $0x1  }
0x1: {  	s19 =	rddreg [dreg:$0x0]  }
0x2: {  	s2 =	rddreg [dreg:$0x1]  }
0x3: {  	s1 =	stileid.u32;
	s0 =	rddreg [dreg:$0x2]  }
0x4: {  	s3 =	simm.s32 $0x0;
	s4 =	srdreg.scid;
	s20 =	smul.u32 $0x2800, s1  }
0x5: {  	[smem:$0x7FF] =	sst s3;
	s21 =	sand.u32 $0x1, s4  }
0x6: {  	s29 =	sshll.u32 s1, $0x6;
	_ =	strace $0x80000047;
	s5 =	sshrl.u32 s20, $0x3  }
0x7: {  	s6 =	sadd.s32 s20, s2;
	s28 =	sadd.s32 s5, s19;
	s5 =	sor.u32 $0x1C03, s29  }
0x8: {  	s7 =	sshrl.u32 s6, $0x3;
	s6 =	simm.s32 $0x3;
	s4 =	sadd.s32 $0x16A00, s28  }
0x9: {  	[spmem:s7], [sflag:s5] =	dma.local [hbm:s4], $0x500  }
0xa: {  	s8 =	sshll.u32 s1, $0x1;
	_ =	swait.ge [sflag:s6], $0x500  }
0xb: {  	s9 =	simm.s32 $0x1000;
	s8 =	sor.u32 s21, s8;
	[sflag:s6] =	ssyncset.done $0x0  }
0xc: {  	s10 =	smul.u32 $0x2800, s8;
	s8 =	sadd.s32 $0x1A00, s19;
	[sflag:s6] =	ssyncadd.s32 $0xFFFFFB00  }
0xd: {  	[tilespmem:s9], [sflag:$0x3] =	stream.linear.gather [hbm4b:s8+s3], $0x8000, $0x38;
	[tilespmem:$0xB800] =	vst v63  }
0xe: {  	_ =	swait.ge [sflag:s6], $0x8000  }
0xf: {  	s10 =	sshrl.u32 s10, $0x3;
	[sflag:s6] =	ssyncset.done $0x0  }
0x10: {  	s18 =	sadd.s32 s10, s19;
	[sflag:s6] =	ssyncadd.s32 $0xFFFF8000  }
0x11: {  	s10 =	sadd.s32 $0xCA00, s18;
	[bflag:$0x0] =	sbarrier.arrive $0xFFFF  }
0x12: {  	[tilespmem:s3], [sflag:$0x1] =	stream.linear.gather [hbm4b:s10+s3], $0x800, $0x38;
	[tilespmem:$0xB800] =	vst v63  }
0x13: {  	s12 =	simm.s32 $0x800;
	s13 =	simm.s32 $0x1;
	s11 =	sadd.s32 $0xCB00, s18  }
0x14: {  	[tilespmem:s12], [sflag:$0x2] =	stream.linear.gather [hbm4b:s11+s3], $0x800, $0x38;
	[tilespmem:$0xB800] =	vst v63  }
0x15: {  	_ =	swait.ge [sflag:s13], $0x800  }
0x16: {  	[sflag:s13] =	ssyncset.done $0x0  }
0x17: {  	s14 =	simm.s32 $0x4;
	[sflag:s13] =	ssyncadd.s32 $0xFFFFF800  }
0x18: {  	[spmem:s2] =	stream.indirect.scatter.add.f32 [tilespmem:s9], [sflag:$0x4], $0x10, s3, s12, $0xb8;
	[tilespmem:$0xB800] =	vst v63  }
0x19: {  	_ =	swait.ge [sflag:s14], $0x8000  }
0x1a: {  	[sflag:s14] =	ssyncset.done $0x0  }
0x1b: {  	s16 =	simm.s32 $0x2;
	s15 =	sadd.s32 $0xCC00, s18;
	[sflag:s14] =	ssyncadd.s32 $0xFFFF8000  }
0x1c: {  	[tilespmem:s3], [sflag:$0x1] =	stream.linear.gather [hbm4b:s15+s3], $0x800, $0x38;
	[tilespmem:$0xB800] =	vst v63  }
0x1d: {  	_ =	swait.ge [sflag:s16], $0x800  }
0x1e: {  	[sflag:s16] =	ssyncset.done $0x0  }
0x1f: {  	[sflag:s16] =	ssyncadd.s32 $0xFFFFF800  }
0x20: {  	[spmem:s2] =	stream.indirect.scatter.add.f32 [tilespmem:s9], [sflag:$0x3], $0x10, s12, s12, $0xb8;
	[tilespmem:$0xB800] =	vst v63  }
0x21: {  	_ =	swait.ge [sflag:s6], $0x8000  }
0x22: {  	[sflag:s6] =	ssyncset.done $0x0  }
0x23: {  	s17 =	sadd.s32 $0xCD00, s18;
	[sflag:s6] =	ssyncadd.s32 $0xFFFF8000  }
0x24: {  	[tilespmem:s12], [sflag:$0x2] =	stream.linear.gather [hbm4b:s17+s3], $0x800, $0x38;
	[tilespmem:$0xB800] =	vst v63  }
0x25: {  	_ =	swait.ge [sflag:s13], $0x800  }
0x26: {  	[sflag:s13] =	ssyncset.done $0x0  }
0x27: {  	[sflag:s13] =	ssyncadd.s32 $0xFFFFF800  }
0x28: {  	[spmem:s2] =	stream.indirect.scatter.add.f32 [tilespmem:s9], [sflag:$0x4], $0x10, s3, s12, $0xb8;
	[tilespmem:$0xB800] =	vst v63  }
0x29: {  	_ =	swait.ge [sflag:s14], $0x8000  }
0x2a: {  	[sflag:s14] =	ssyncset.done $0x0  }
0x2b: {  	s18 =	sadd.s32 $0xCE00, s18;
	[sflag:s14] =	ssyncadd.s32 $0xFFFF8000  }
0x2c: {  	[tilespmem:s3], [sflag:$0x1] =	stream.linear.gather [hbm4b:s18+s3], $0x800, $0x38;
	[tilespmem:$0xB800] =	vst v63  }
0x2d: {  	_ =	swait.ge [sflag:s16], $0x800  }
0x2e: {  	[sflag:s16] =	ssyncset.done $0x0  }
0x2f: {  	[sflag:s16] =	ssyncadd.s32 $0xFFFFF800  }
0x30: {  	[spmem:s2] =	stream.indirect.scatter.add.f32 [tilespmem:s9], [sflag:$0x3], $0x10, s12, s12, $0xb8;
	[tilespmem:$0xB800] =	vst v63  }
0x31: {  	_ =	swait.ge [sflag:s6], $0x8000  }
0x32: {  	[sflag:s6] =	ssyncset.done $0x0  }
0x33: {  	s22 =	smul.u32 $0x28000, s21;
	[sflag:s6] =	ssyncadd.s32 $0xFFFF8000  }
0x34: {  	s21 =	ssub.s32 $0x2, s21;
	_ =	swait.ge [sflag:s13], $0x800  }
0x35: {  	s30 =	sshrl.u32 s21, $0x1;
	s20 =	sadd.s32 s20, s22;
	[sflag:s13] =	ssyncset.done $0x0  }
0x36: {  	s31 =	ssub.s32 s21, s30;
	s20 =	sshrl.u32 s20, $0x3;
	[sflag:s13] =	ssyncadd.s32 $0xFFFFF800  }
0x37: {  	[spmem:s2] =	stream.indirect.scatter.add.f32 [tilespmem:s9], [sflag:$0x4], $0x10, s3, s12, $0xb8;
	[tilespmem:$0xB800] =	vst v63  }
0x38: {  	s19 =	sadd.s32 s20, s19;
	s20 =	smax.u32 s31, $0x1;
	_ =	swait.ge [sflag:s14], $0x8000  }
0x39: {  	p0 =	sne.s32 s20, $0x1;
	[sflag:s14] =	ssyncset.done $0x0  }
.Ltmp0:
0x3a: {  	[sflag:s14] =	ssyncadd.s32 $0xFFFF8000;
	(pc) =	sbr.rel @!p0 .LBB2_2-.Ltmp0, $4  }
0x3b: {  	s19 =	sadd.s32 $0x1BA00, s19;
	[bflag:$0x0] =	sbarrier.arrive $0xFFFF  }
0x3c: {  	[hbm:s19], [sflag:s5] =	dma.local [spmem:s7], $0x500  }
0x3d: {  	_ =	swait.ge [sflag:s6], $0x500  }
0x3e: {  	s20 =	sadd.s32 $0xFFFFFFFF, s20;
	[sflag:s6] =	ssyncset.done $0x0  }
.LBB2_1:
0x3f: {  	p0 =	sne.s32 s20, $0x1;
	s20 =	sadd.s32 $0xFFFFFFFF, s20;
	[sflag:s6] =	ssyncadd.s32 $0xFFFFFB00  }
0x40: {  	[spmem:s7], [sflag:s5] =	dma.local [hbm:s4], $0x500  }
0x41: {  	_ =	swait.ge [sflag:s6], $0x500  }
0x42: {  	[sflag:s6] =	ssyncset.done $0x0  }
0x43: {  	[sflag:s6] =	ssyncadd.s32 $0xFFFFFB00  }
0x44: {  	[tilespmem:s9], [sflag:$0x3] =	stream.linear.gather [hbm4b:s8+s3], $0x8000, $0x38;
	[tilespmem:$0xB800] =	vst v63  }
0x45: {  	_ =	swait.ge [sflag:s6], $0x8000  }
0x46: {  	[sflag:s6] =	ssyncset.done $0x0  }
0x47: {  	[sflag:s6] =	ssyncadd.s32 $0xFFFF8000  }
0x48: {  	[bflag:$0x0] =	sbarrier.arrive $0xFFFF  }
0x49: {  	[tilespmem:s3], [sflag:$0x1] =	stream.linear.gather [hbm4b:s10+s3], $0x800, $0x38;
	[tilespmem:$0xB800] =	vst v63  }
0x4a: {  	_ = 	snop  }
0x4b: {  	[tilespmem:s12], [sflag:$0x2] =	stream.linear.gather [hbm4b:s11+s3], $0x800, $0x38;
	[tilespmem:$0xB800] =	vst v63  }
0x4c: {  	_ =	swait.ge [sflag:s13], $0x800  }
0x4d: {  	[sflag:s13] =	ssyncset.done $0x0  }
0x4e: {  	[sflag:s13] =	ssyncadd.s32 $0xFFFFF800  }
0x4f: {  	[spmem:s2] =	stream.indirect.scatter.add.f32 [tilespmem:s9], [sflag:$0x4], $0x10, s3, s12, $0xb8;
	[tilespmem:$0xB800] =	vst v63  }
0x50: {  	_ =	swait.ge [sflag:s14], $0x8000  }
0x51: {  	[sflag:s14] =	ssyncset.done $0x0  }
0x52: {  	[sflag:s14] =	ssyncadd.s32 $0xFFFF8000  }
0x53: {  	[tilespmem:s3], [sflag:$0x1] =	stream.linear.gather [hbm4b:s15+s3], $0x800, $0x38;
	[tilespmem:$0xB800] =	vst v63  }
0x54: {  	_ =	swait.ge [sflag:s16], $0x800  }
0x55: {  	[sflag:s16] =	ssyncset.done $0x0  }
0x56: {  	[sflag:s16] =	ssyncadd.s32 $0xFFFFF800  }
0x57: {  	[spmem:s2] =	stream.indirect.scatter.add.f32 [tilespmem:s9], [sflag:$0x3], $0x10, s12, s12, $0xb8;
	[tilespmem:$0xB800] =	vst v63  }
0x58: {  	_ =	swait.ge [sflag:s6], $0x8000  }
0x59: {  	[sflag:s6] =	ssyncset.done $0x0  }
0x5a: {  	[sflag:s6] =	ssyncadd.s32 $0xFFFF8000  }
0x5b: {  	[tilespmem:s12], [sflag:$0x2] =	stream.linear.gather [hbm4b:s17+s3], $0x800, $0x38;
	[tilespmem:$0xB800] =	vst v63  }
0x5c: {  	_ =	swait.ge [sflag:s13], $0x800  }
0x5d: {  	[sflag:s13] =	ssyncset.done $0x0  }
0x5e: {  	[sflag:s13] =	ssyncadd.s32 $0xFFFFF800  }
0x5f: {  	[spmem:s2] =	stream.indirect.scatter.add.f32 [tilespmem:s9], [sflag:$0x4], $0x10, s3, s12, $0xb8;
	[tilespmem:$0xB800] =	vst v63  }
0x60: {  	_ =	swait.ge [sflag:s14], $0x8000  }
0x61: {  	[sflag:s14] =	ssyncset.done $0x0  }
0x62: {  	[sflag:s14] =	ssyncadd.s32 $0xFFFF8000  }
0x63: {  	[tilespmem:s3], [sflag:$0x1] =	stream.linear.gather [hbm4b:s18+s3], $0x800, $0x38;
	[tilespmem:$0xB800] =	vst v63  }
0x64: {  	_ =	swait.ge [sflag:s16], $0x800  }
0x65: {  	[sflag:s16] =	ssyncset.done $0x0  }
0x66: {  	[sflag:s16] =	ssyncadd.s32 $0xFFFFF800  }
0x67: {  	[spmem:s2] =	stream.indirect.scatter.add.f32 [tilespmem:s9], [sflag:$0x3], $0x10, s12, s12, $0xb8;
	[tilespmem:$0xB800] =	vst v63  }
0x68: {  	_ =	swait.ge [sflag:s6], $0x8000  }
0x69: {  	[sflag:s6] =	ssyncset.done $0x0  }
0x6a: {  	[sflag:s6] =	ssyncadd.s32 $0xFFFF8000  }
0x6b: {  	_ =	swait.ge [sflag:s13], $0x800  }
0x6c: {  	[sflag:s13] =	ssyncset.done $0x0  }
0x6d: {  	[sflag:s13] =	ssyncadd.s32 $0xFFFFF800  }
0x6e: {  	[spmem:s2] =	stream.indirect.scatter.add.f32 [tilespmem:s9], [sflag:$0x4], $0x10, s3, s12, $0xb8;
	[tilespmem:$0xB800] =	vst v63  }
0x6f: {  	_ =	swait.ge [sflag:s14], $0x8000  }
0x70: {  	[sflag:s14] =	ssyncset.done $0x0  }
.Ltmp1:
0x71: {  	[sflag:s14] =	ssyncadd.s32 $0xFFFF8000;
	(pc) =	sbr.rel @p0 .LBB2_1-.Ltmp1, $4  }
0x72: {  	[bflag:$0x0] =	sbarrier.arrive $0xFFFF  }
0x73: {  	[hbm:s19], [sflag:s5] =	dma.local [spmem:s7], $0x500  }
0x74: {  	_ =	swait.ge [sflag:s6], $0x500  }
0x75: {  	[sflag:s6] =	ssyncset.done $0x0  }
.LBB2_2:
0x76: {  	[sflag:s6] =	ssyncadd.s32 $0xFFFFFB00  }
0x77: {  	_ =	sfence.sel $0x180000  }
0x78: {  	[bflag:$0x0] =	sbarrier.arrive $0xFFFF  }
0x79: {  	p0 =	sne.s32 s1, $0x0;
	_ =	strace $0x90000047  }
0x7a: {  	s0 =	sadd.s32 @!p0 $0x100000, s0;
	[bflag:$0x2] =	sbarrier.arrive $0xFFFF  }
0x7b: {  	[sflag:s0] =	ssyncadd.tile.s32 @!p0 $0x1;
	_ =	shalt  }
.Lfunc_end2:
_tile_overlayer_lowered:
.L_overlay_start_2:
0x7c: {  	(tag) =	ssettag $0x2  }
0x7d: {  	s0 =	rddreg [dreg:$0x0];
	s2 =	stileid.u32  }
0x7e: {  	s1 =	rddreg [dreg:$0x1];
	p0 =	sne.s32 s2, $0x0  }
0x7f: {  	s3 =	rddreg [dreg:$0x2];
	[bflag:$0x3] =	sbarrier.arrive $0xFFFF;
	s2 =	simm.s32 @!p0 $0x1C03  }
0x80: {  	[timem:s3], [sflag:s2] =	dma.local @!p0 [hbm:s0], s1  }
0x81: {  	s0 =	simm.s32 @!p0 $0x3  }
0x82: {  	_ =	swait.ge @!p0 [sflag:s0], s1  }
0x83: {  	s1 =	ssub.s32 @!p0 $0x0, s1;
	[sflag:s0] =	ssyncset.done @!p0 $0x0  }
0x84: {  	[sflag:s0] =	ssyncadd.s32 @!p0 s1  }
0x85: {  	[bflag:$0x3] =	sbarrier.arrive $0xFFFF  }
0x86: {  	_ =	shalt  }

</sc_bundles>
